<compile_context>
chip_gen: v7x
topology: tpu7x:2x2x1
jax: 0.10.2.dev20260603
libtpu: 0.0.44.dev20260713+nightly
codegen_flags: <defaults>
</compile_context>

<pallas_src>
import functools

import jax
import jax.numpy as jnp
from jax import lax
from jax.experimental import pallas as pl
from jax.experimental.pallas import tpu as pltpu
from jax.experimental.pallas import tpu_sc as plsc

H, DH, HID = 8, 16, 128
NM, ND, NA, E = 50000, 10000, 10000, 320000
NACT = 10000
RP = 10240
GW = 144
ADW = 16
NCORES, NTILES = 2, 16
CHUNK = 80
GROUP = 32
NGROUP = 8
CPT = GROUP * NGROUP
EPT = CHUNK * CPT
EP = EPT * NTILES
TRASH = NACT
F32 = jnp.float32



def _proj_pack_body(x_ref, w_ref, b_ref, att_ref, h_ref, a_ref, mx_ref):
    i = pl.program_id(0)
    h = jnp.dot(x_ref[...], w_ref[...], preferred_element_type=F32) + b_ref[...]
    a = jnp.dot(h, att_ref[...], preferred_element_type=F32,
                precision=jax.lax.Precision.HIGHEST)
    h_ref[...] = h
    a_ref[...] = a

    @pl.when(i == 0)
    def _():
        mx_ref[...] = jnp.full((1, H), -1e30, F32)

    mx_ref[...] = jnp.maximum(mx_ref[...], a.max(axis=0, keepdims=True))


def _proj_pack(x, w, b, att):
    B = 1000
    grid = (NACT // B,)
    return pl.pallas_call(
        _proj_pack_body,
        grid=grid,
        in_specs=[
            pl.BlockSpec((B, HID), lambda i: (i, 0)),
            pl.BlockSpec((HID, HID), lambda i: (0, 0)),
            pl.BlockSpec((1, HID), lambda i: (0, 0)),
            pl.BlockSpec((HID, H), lambda i: (0, 0)),
        ],
        out_specs=[
            pl.BlockSpec((B, HID), lambda i: (i, 0)),
            pl.BlockSpec((B, H), lambda i: (i, 0)),
            pl.BlockSpec((1, H), lambda i: (0, 0)),
        ],
        out_shape=[
            jax.ShapeDtypeStruct((NACT, HID), F32),
            jax.ShapeDtypeStruct((NACT, H), F32),
            jax.ShapeDtypeStruct((1, H), F32),
        ],
    )(x, w, b, att)



def _proj_ad_body(x_ref, w_ref, b_ref, att1_ref, att2_ref,
                  ad1_ref, ad2_ref, mx_ref):
    i = pl.program_id(0)
    h = jnp.dot(x_ref[...], w_ref[...], preferred_element_type=F32) + b_ref[...]
    a1 = jnp.dot(h, att1_ref[...], preferred_element_type=F32,
                 precision=jax.lax.Precision.HIGHEST)
    a2 = jnp.dot(h, att2_ref[...], preferred_element_type=F32,
                 precision=jax.lax.Precision.HIGHEST)
    ad1_ref[...] = a1
    ad2_ref[...] = a2

    @pl.when(i == 0)
    def _():
        mx_ref[...] = jnp.full((1, 2 * H), -1e30, F32)

    cur = jnp.concatenate([a1.max(axis=0, keepdims=True),
                           a2.max(axis=0, keepdims=True)], axis=1)
    mx_ref[...] = jnp.maximum(mx_ref[...], cur)


def _proj_ad(x, w, b, att1, att2):
    B = 1000
    return pl.pallas_call(
        _proj_ad_body,
        grid=(NACT // B,),
        in_specs=[
            pl.BlockSpec((B, HID), lambda i: (i, 0)),
            pl.BlockSpec((HID, HID), lambda i: (0, 0)),
            pl.BlockSpec((1, HID), lambda i: (0, 0)),
            pl.BlockSpec((HID, H), lambda i: (0, 0)),
            pl.BlockSpec((HID, H), lambda i: (0, 0)),
        ],
        out_specs=[
            pl.BlockSpec((B, H), lambda i: (i, 0)),
            pl.BlockSpec((B, H), lambda i: (i, 0)),
            pl.BlockSpec((1, 2 * H), lambda i: (0, 0)),
        ],
        out_shape=[
            jax.ShapeDtypeStruct((NACT, H), F32),
            jax.ShapeDtypeStruct((NACT, H), F32),
            jax.ShapeDtypeStruct((1, 2 * H), F32),
        ],
    )(x, w, b, att1, att2)



def _edge_body(gt, adt, m2, srcg, dstg, dsts, acc_out,
               acc_sh, gbuf0, gbuf1, adbuf0, adbuf1, isrc, idg, ids, mbuf,
               gsem0, gsem1, adsem0, adsem1, ssem0, ssem1):
    c = lax.axis_index("c")
    s = lax.axis_index("s")
    rows_per_tile = RP // NTILES
    gbufs, adbufs = (gbuf0, gbuf1), (adbuf0, adbuf1)
    gsems, adsems, ssems = (gsem0, gsem1), (adsem0, adsem1), (ssem0, ssem1)

    pltpu.sync_copy(m2.at[c], mbuf)

    def zrow(i, carry):
        for j in range(GW // 16):
            gbuf1[i, pl.ds(j * 16, 16)] = jnp.zeros((16,), F32)
        return carry

    lax.fori_loop(0, CHUNK, zrow, 0)
    for z in range(rows_per_tile // CHUNK):
        pltpu.sync_copy(
            gbuf1, acc_sh.at[pl.ds(s * rows_per_tile + z * CHUNK, CHUNK)])
    plsc.subcore_barrier()

    lane = lax.iota(jnp.int32, 16)
    emask = lane < H
    mvec = mbuf[...]
    row0 = c * (NTILES * CPT) + s * CPT

    def do_chunk(g, lj, par):
        gb, ab = gbufs[par], adbufs[par]
        q = 1 - par

        @pl.when(lj >= 1)
        def _():
            pltpu.make_async_copy(
                gbufs[q], acc_sh.at[ids.at[lj]], ssems[q]).wait()

        @pl.when(lj + 1 < GROUP)
        def _():
            pltpu.async_copy(gt.at[isrc.at[lj + 1]], gbufs[q], gsems[q])
            pltpu.async_copy(adt.at[idg.at[lj + 1]], adbufs[q], adsems[q])

        pltpu.make_async_copy(gt.at[isrc.at[lj]], gb, gsems[par]).wait()
        pltpu.make_async_copy(adt.at[idg.at[lj]], ab, adsems[par]).wait()

        @plsc.parallel_loop(0, CHUNK, unroll=4)
        def _(i):
            zv = gb[i, pl.ds(HID, 16)] + ab[i, :]
            zv = jnp.maximum(zv, 0.2 * zv) - mvec
            ev = jnp.where(emask, jnp.exp(zv), 0.0)
            gb[i, pl.ds(HID, 16)] = ev
            for h in range(H):
                gb[i, pl.ds(h * 16, 16)] = gb[i, pl.ds(h * 16, 16)] * ev[h]
        pltpu.async_copy(gb, acc_sh.at[ids.at[lj]], ssems[par], add=True)

    def group_body(g, carry):
        @pl.when(g >= 1)
        def _():
            pltpu.make_async_copy(gbuf1, acc_sh.at[ids.at[0]], ssem1).wait()
        gr = row0 + g * GROUP
        pltpu.sync_copy(srcg.at[pl.ds(gr, GROUP)], isrc)
        pltpu.sync_copy(dstg.at[pl.ds(gr, GROUP)], idg)
        pltpu.sync_copy(dsts.at[pl.ds(gr, GROUP)], ids)
        pltpu.async_copy(gt.at[isrc.at[0]], gbuf0, gsem0)
        pltpu.async_copy(adt.at[idg.at[0]], adbuf0, adsem0)

        def pair_body(j2, pcarry):
            do_chunk(g, 2 * j2, 0)
            do_chunk(g, 2 * j2 + 1, 1)
            return pcarry

        lax.fori_loop(0, GROUP // 2, pair_body, 0)
        return carry

    lax.fori_loop(0, NGROUP, group_body, 0)
    pltpu.make_async_copy(gbuf1, acc_sh.at[ids.at[0]], ssem1).wait()
    plsc.subcore_barrier()
    for z in range(rows_per_tile // CHUNK):
        r0 = s * rows_per_tile + z * CHUNK
        pltpu.sync_copy(acc_sh.at[pl.ds(r0, CHUNK)],
                        acc_out.at[c, pl.ds(r0, CHUNK)])


def _edge_kernel(gt, adt, m2, srcg, dstg, dsts):
    mesh = plsc.VectorSubcoreMesh(
        core_axis_name="c", subcore_axis_name="s",
        num_cores=NCORES, num_subcores=NTILES)
    f = functools.partial(
        pl.kernel,
        out_type=jax.ShapeDtypeStruct((NCORES, RP, GW), F32),
        mesh=mesh,
        compiler_params=pltpu.CompilerParams(use_tc_tiling_on_sc=False),
        scratch_types=[
            pltpu.VMEM_SHARED((RP, GW), F32),
            pltpu.VMEM((CHUNK, GW), F32),
            pltpu.VMEM((CHUNK, GW), F32),
            pltpu.VMEM((CHUNK, ADW), F32),
            pltpu.VMEM((CHUNK, ADW), F32),
            pltpu.VMEM((GROUP, CHUNK), jnp.int32),
            pltpu.VMEM((GROUP, CHUNK), jnp.int32),
            pltpu.VMEM((GROUP, CHUNK), jnp.int32),
            pltpu.VMEM((16,), F32),
            pltpu.SemaphoreType.DMA,
            pltpu.SemaphoreType.DMA,
            pltpu.SemaphoreType.DMA,
            pltpu.SemaphoreType.DMA,
            pltpu.SemaphoreType.DMA,
            pltpu.SemaphoreType.DMA,
        ],
    )(_edge_body)
    return f(gt, adt, m2, srcg, dstg, dsts)



def _post_body(xdm_ref, xam_ref, k_ref, kb_ref, q_ref,
               odm_ref, oam_ref, sv_ref, tdm_ref, tam_ref):
    i = pl.program_id(0)

    @pl.when(i == 0)
    def _():
        tdm_ref[...] = jnp.zeros((1, HID), F32)
        tam_ref[...] = jnp.zeros((1, HID), F32)

    def path(x_ref, out_ref, t_ref):
        x = x_ref[0]
        acc = x[:, :HID]
        s8 = x[:, HID:HID + H].reshape(-1, H, 1)
        sexp = jnp.broadcast_to(s8, (acc.shape[0], H, DH)).reshape(-1, HID)
        o = jnp.maximum(acc / (sexp + 1e-16), 0.0)
        out_ref[...] = o
        t = jnp.tanh(jnp.dot(o, k_ref[...], preferred_element_type=F32)
                     + kb_ref[...])
        t_ref[...] = t_ref[...] + t.sum(axis=0, keepdims=True)

    path(xdm_ref, odm_ref, tdm_ref)
    path(xam_ref, oam_ref, tam_ref)

    const = (NM - NACT) * jnp.tanh(kb_ref[...])
    r0 = q_ref[...] * (tdm_ref[...] + const) * (1.0 / NM)
    r1 = q_ref[...] * (tam_ref[...] + const) * (1.0 / NM)
    sv_ref[...] = jnp.concatenate([r0, r1], axis=0)


def _post_kernel(acc, k_lin_w, k_lin_b, q):
    B = 1000
    return pl.pallas_call(
        _post_body,
        grid=(NACT // B,),
        in_specs=[
            pl.BlockSpec((1, B, GW), lambda i: (0, i, 0)),
            pl.BlockSpec((1, B, GW), lambda i: (1, i, 0)),
            pl.BlockSpec((HID, HID), lambda i: (0, 0)),
            pl.BlockSpec((1, HID), lambda i: (0, 0)),
            pl.BlockSpec((1, HID), lambda i: (0, 0)),
        ],
        out_specs=[
            pl.BlockSpec((B, HID), lambda i: (i, 0)),
            pl.BlockSpec((B, HID), lambda i: (i, 0)),
            pl.BlockSpec((2, HID), lambda i: (0, 0)),
        ],
        out_shape=[
            jax.ShapeDtypeStruct((NACT, HID), F32),
            jax.ShapeDtypeStruct((NACT, HID), F32),
            jax.ShapeDtypeStruct((2, HID), F32),
        ],
        scratch_shapes=[
            pltpu.VMEM((1, HID), F32),
            pltpu.VMEM((1, HID), F32),
        ],
    )(acc, acc, k_lin_w, k_lin_b, q)



def _final_body(odm_ref, oam_ref, sv_ref, lw_ref, lb_ref, out_ref):
    s0 = jnp.sum(sv_ref[0, :])
    s1 = jnp.sum(sv_ref[1, :])
    m = jnp.maximum(s0, s1)
    e0 = jnp.exp(s0 - m)
    e1 = jnp.exp(s1 - m)
    a0 = e0 / (e0 + e1)
    a1 = e1 / (e0 + e1)
    combo = a0 * odm_ref[...] + a1 * oam_ref[...]
    out_ref[...] = (jnp.dot(combo, lw_ref[...], preferred_element_type=F32)
                    + lb_ref[...])


def _final_kernel(o_dm, o_am, sv, lin_w, lin_b):
    B = 1000
    return pl.pallas_call(
        _final_body,
        grid=(NACT // B,),
        in_specs=[
            pl.BlockSpec((B, HID), lambda i: (i, 0)),
            pl.BlockSpec((B, HID), lambda i: (i, 0)),
            pl.BlockSpec((2, HID), lambda i: (0, 0)),
            pl.BlockSpec((HID, 3), lambda i: (0, 0)),
            pl.BlockSpec((1, 3), lambda i: (0, 0)),
        ],
        out_specs=pl.BlockSpec((B, 3), lambda i: (i, 0)),
        out_shape=jax.ShapeDtypeStruct((NACT, 3), F32),
    )(o_dm, o_am, sv, lin_w, lin_b)



def _att_mat(att):
    return (jnp.eye(H, dtype=F32)[:, None, :] * att[:, :, None]).reshape(HID, H)


def _prep_edges(ei, off):
    src, dst = ei[0], ei[1]
    npad = EP - E
    srcg = jnp.concatenate([src + off, jnp.full((npad,), off, jnp.int32)])
    dstg = jnp.concatenate([dst + off, jnp.full((npad,), off, jnp.int32)])
    dsts = jnp.concatenate([dst, jnp.full((npad,), TRASH, jnp.int32)])
    return srcg, dstg, dsts


def kernel(x_movie, x_director, x_actor, ei_md, ei_dm, ei_ma, ei_am,
           W_movie, b_movie, W_director, b_director, W_actor, b_actor,
           att_src_md, att_dst_md, att_src_ma, att_dst_ma,
           att_src_dm, att_dst_dm, att_src_am, att_dst_am,
           k_lin_w, k_lin_b, q, lin_w, lin_b):
    x_m = x_movie[:NACT]

    h_d, as_dm, mx_as_dm = _proj_pack(
        x_director, W_director, b_director.reshape(1, HID),
        _att_mat(att_src_dm))
    h_a, as_am, mx_as_am = _proj_pack(
        x_actor, W_actor, b_actor.reshape(1, HID),
        _att_mat(att_src_am))
    ad_dm, ad_am, mx_ad = _proj_ad(x_m, W_movie, b_movie.reshape(1, HID),
                                   _att_mat(att_dst_dm),
                                   _att_mat(att_dst_am))

    zero8 = jnp.zeros((H,), F32)
    m_dm = jnp.concatenate([mx_as_dm[0] + mx_ad[0, :H], zero8])
    m_am = jnp.concatenate([mx_as_am[0] + mx_ad[0, H:], zero8])
    m2 = jnp.stack([m_dm, m_am])

    zpad = jnp.zeros((NACT, GW - HID - H), F32)
    gt = jnp.concatenate([
        jnp.concatenate([h_d, as_dm, zpad], axis=1),
        jnp.concatenate([h_a, as_am, zpad], axis=1)], axis=0)
    zpad2 = jnp.zeros((NACT, ADW - H), F32)
    adt = jnp.concatenate([
        jnp.concatenate([ad_dm, zpad2], axis=1),
        jnp.concatenate([ad_am, zpad2], axis=1)], axis=0)

    sg0, dg0, ds0 = _prep_edges(ei_dm, 0)
    sg1, dg1, ds1 = _prep_edges(ei_am, NACT)
    nrows = NCORES * NTILES * CPT
    srcg = jnp.concatenate([sg0, sg1]).reshape(nrows, CHUNK)
    dstg = jnp.concatenate([dg0, dg1]).reshape(nrows, CHUNK)
    dsts = jnp.concatenate([ds0, ds1]).reshape(nrows, CHUNK)

    acc = _edge_kernel(gt, adt, m2, srcg, dstg, dsts)

    o_dm, o_am, sv = _post_kernel(acc, k_lin_w, k_lin_b.reshape(1, HID),
                                  q.reshape(1, HID))
    o10 = _final_kernel(o_dm, o_am, sv, lin_w, lin_b.reshape(1, 3))
    tail = jnp.broadcast_to(lin_b.reshape(1, 3), (NM - NACT, 3))
    return jnp.concatenate([o10, tail], axis=0)

# --- scband reference (transcript-rebuilt; emitter-appended) ---
"""Pipeline reference for scband-han-84713934947069 (READ-ONLY COPY).

The authoritative reference and input builder live on the scoring server;
editing this copy changes nothing except your own understanding.
"""

import jax, jax.numpy as jnp
import numpy as np

H, Dh = 8, 16
HID = 128
NM, ND, NA = 50000, 10000, 10000
E = 320000


def segment_softmax(logits, seg, num_segments):
    m = jax.ops.segment_max(logits, seg, num_segments=num_segments)
    m = jnp.where(jnp.isfinite(m), m, 0.0)
    e = jnp.exp(logits - m[seg])
    s = jax.ops.segment_sum(e, seg, num_segments=num_segments)
    return e / (s[seg] + 1e-16)


def edge_conv(x_src, x_dst, ei, a_src, a_dst, n_dst):
    # x_src: [Ns,H,Dh], x_dst: [Nd,H,Dh], ei: [2,E]
    alpha_src = (x_src * a_src[None]).sum(-1)  # [Ns,H]
    alpha_dst = (x_dst * a_dst[None]).sum(-1)  # [Nd,H]
    src, dst = ei[0], ei[1]
    alpha = jax.nn.leaky_relu(alpha_src[src] + alpha_dst[dst], negative_slope=0.2)
    alpha = segment_softmax(alpha, dst, n_dst)  # [E,H]
    msg = x_src[src] * alpha[:, :, None]  # [E,H,Dh]
    out = jax.ops.segment_sum(msg, dst, num_segments=n_dst)  # [Nd,H,Dh]
    return jax.nn.relu(out.reshape(n_dst, HID))


def han_forward(x_movie, x_director, x_actor, ei_md, ei_dm, ei_ma, ei_am,
                W_movie, b_movie, W_director, b_director, W_actor, b_actor,
                att_src_md, att_dst_md, att_src_ma, att_dst_ma,
                att_src_dm, att_dst_dm, att_src_am, att_dst_am,
                k_lin_w, k_lin_b, q, lin_w, lin_b):
    # per-node-type projection to hidden dim, viewed as [N,H,Dh]
    h_m = (x_movie @ W_movie + b_movie).reshape(NM, H, Dh)
    h_d = (x_director @ W_director + b_director).reshape(ND, H, Dh)
    h_a = (x_actor @ W_actor + b_actor).reshape(NA, H, Dh)
    # per-edge-type GAT-style message passing (metadata order: md, ma, dm, am)
    out_md = edge_conv(h_m, h_d, ei_md, att_src_md, att_dst_md, ND)
    out_ma = edge_conv(h_m, h_a, ei_ma, att_src_ma, att_dst_ma, NA)
    out_dm = edge_conv(h_d, h_m, ei_dm, att_src_dm, att_dst_dm, NM)
    out_am = edge_conv(h_a, h_m, ei_am, att_src_am, att_dst_am, NM)
    # semantic attention for 'movie' (two metapaths target movie)
    stacked = jnp.stack([out_dm, out_am])  # [2,NM,HID]
    score = (q * jnp.tanh(stacked @ k_lin_w + k_lin_b).mean(axis=1)).sum(-1)  # [2]
    attn = jax.nn.softmax(score)
    out_movie = (attn[:, None, None] * stacked).sum(0)  # [NM,HID]
    # director/actor each have a single metapath -> semantic attn weight 1 (unused by final lin)
    _ = (out_md, out_ma)
    return out_movie @ lin_w + lin_b  # [NM, 3]


def setup_inputs(seed: int = 0):
    key = jax.random.key(seed)
    ks = jax.random.split(key, 30)
    s = 1.0 / float(np.sqrt(HID))
    inp = {}
    inp['x_movie'] = jax.random.normal(ks[0], (NM, 128), dtype=jnp.float32)
    inp['x_director'] = jax.random.normal(ks[1], (ND, 128), dtype=jnp.float32)
    inp['x_actor'] = jax.random.normal(ks[2], (NA, 128), dtype=jnp.float32)
    inp['ei_md'] = jax.random.randint(ks[3], (2, E), 0, 10000, dtype=jnp.int32)
    inp['ei_dm'] = jax.random.randint(ks[4], (2, E), 0, 10000, dtype=jnp.int32)
    inp['ei_ma'] = jax.random.randint(ks[5], (2, E), 0, 10000, dtype=jnp.int32)
    inp['ei_am'] = jax.random.randint(ks[6], (2, E), 0, 10000, dtype=jnp.int32)
    inp['W_movie'] = jax.random.normal(ks[7], (128, HID), dtype=jnp.float32) * s
    inp['b_movie'] = jnp.zeros((HID,), dtype=jnp.float32)
    inp['W_director'] = jax.random.normal(ks[8], (128, HID), dtype=jnp.float32) * s
    inp['b_director'] = jnp.zeros((HID,), dtype=jnp.float32)
    inp['W_actor'] = jax.random.normal(ks[9], (128, HID), dtype=jnp.float32) * s
    inp['b_actor'] = jnp.zeros((HID,), dtype=jnp.float32)
    inp['att_src_md'] = jax.random.normal(ks[10], (H, Dh), dtype=jnp.float32) * 0.25
    inp['att_dst_md'] = jax.random.normal(ks[11], (H, Dh), dtype=jnp.float32) * 0.25
    inp['att_src_ma'] = jax.random.normal(ks[12], (H, Dh), dtype=jnp.float32) * 0.25
    inp['att_dst_ma'] = jax.random.normal(ks[13], (H, Dh), dtype=jnp.float32) * 0.25
    inp['att_src_dm'] = jax.random.normal(ks[14], (H, Dh), dtype=jnp.float32) * 0.25
    inp['att_dst_dm'] = jax.random.normal(ks[15], (H, Dh), dtype=jnp.float32) * 0.25
    inp['att_src_am'] = jax.random.normal(ks[16], (H, Dh), dtype=jnp.float32) * 0.25
    inp['att_dst_am'] = jax.random.normal(ks[17], (H, Dh), dtype=jnp.float32) * 0.25
    inp['k_lin_w'] = jax.random.normal(ks[18], (HID, HID), dtype=jnp.float32) * s
    inp['k_lin_b'] = jnp.zeros((HID,), dtype=jnp.float32)
    inp['q'] = jax.random.normal(ks[19], (HID,), dtype=jnp.float32) * s
    inp['lin_w'] = jax.random.normal(ks[20], (HID, 3), dtype=jnp.float32) * s
    inp['lin_b'] = jnp.zeros((3,), dtype=jnp.float32)
    return inp


def reference(x_movie, x_director, x_actor, ei_md, ei_dm, ei_ma, ei_am,
              W_movie, b_movie, W_director, b_director, W_actor, b_actor,
              att_src_md, att_dst_md, att_src_ma, att_dst_ma,
              att_src_dm, att_dst_dm, att_src_am, att_dst_am,
              k_lin_w, k_lin_b, q, lin_w, lin_b):
    return han_forward(x_movie, x_director, x_actor, ei_md, ei_dm, ei_ma, ei_am,
                       W_movie, b_movie, W_director, b_director, W_actor, b_actor,
                       att_src_md, att_dst_md, att_src_ma, att_dst_ma,
                       att_src_dm, att_dst_dm, att_src_am, att_dst_am,
                       k_lin_w, k_lin_b, q, lin_w, lin_b)

if __name__ == "__main__":
    import jax
    _d = setup_inputs()
    print(jax.jit(kernel)(*tuple(_d.values())))

</pallas_src>

<mosaic_0001>
#map = affine_map<(d0, d1) -> (0, 0)>
#map1 = affine_map<(d0, d1) -> (0, 0, 0)>
module attributes {stable_mosaic.version = 14 : i64} {
  func.func @_edge_body(%arg0: i32, %arg1: i32, %arg2: memref<20000x144xf32, #tpu.memory_space<hbm>>, %arg3: memref<20000x16xf32, #tpu.memory_space<hbm>>, %arg4: memref<2x16xf32, #tpu.memory_space<hbm>>, %arg5: memref<8192x80xi32, #tpu.memory_space<hbm>>, %arg6: memref<8192x80xi32, #tpu.memory_space<hbm>>, %arg7: memref<8192x80xi32, #tpu.memory_space<hbm>>, %arg8: memref<2x10240x144xf32, #tpu.memory_space<hbm>>, %arg9: memref<10240x144xf32, #tpu.memory_space<vmem_shared>>, %arg10: memref<80x144xf32, #tpu.memory_space<vmem>>, %arg11: memref<80x144xf32, #tpu.memory_space<vmem>>, %arg12: memref<80x16xf32, #tpu.memory_space<vmem>>, %arg13: memref<80x16xf32, #tpu.memory_space<vmem>>, %arg14: memref<32x80xi32, #tpu.memory_space<vmem>>, %arg15: memref<32x80xi32, #tpu.memory_space<vmem>>, %arg16: memref<32x80xi32, #tpu.memory_space<vmem>>, %arg17: memref<16xf32, #tpu.memory_space<vmem>>, %arg18: memref<!tpu.dma_semaphore, #tpu.memory_space<semaphore_mem>>, %arg19: memref<!tpu.dma_semaphore, #tpu.memory_space<semaphore_mem>>, %arg20: memref<!tpu.dma_semaphore, #tpu.memory_space<semaphore_mem>>, %arg21: memref<!tpu.dma_semaphore, #tpu.memory_space<semaphore_mem>>, %arg22: memref<!tpu.dma_semaphore, #tpu.memory_space<semaphore_mem>>, %arg23: memref<!tpu.dma_semaphore, #tpu.memory_space<semaphore_mem>>) attributes {dimension_semantics = [#tpu.dimension_semantics<core_parallel>, #tpu.dimension_semantics<subcore_parallel>], iteration_bounds = array<i64: 2, 16>, scalar_prefetch = 0 : i64, scratch_operands = 15 : i64, tpu.core_type = #tpu.core_type<sc_vector_subcore>, window_params = [{transform_indices = #map}, {transform_indices = #map}, {transform_indices = #map}, {transform_indices = #map}, {transform_indices = #map}, {transform_indices = #map}, {transform_indices = #map1}]} {
    "tpu.region"() ({
      %run_scoped3A = tpu.sem_alloc : memref<!tpu.dma_semaphore, #tpu.memory_space<semaphore_mem>>
      %dma_start3A = arith.constant 0 : i32
      %dma_start3A_89 = tpu.memref_slice %arg4[%arg0, %dma_start3A] : memref<2x16xf32, #tpu.memory_space<hbm>> -> memref<1x16xf32, #tpu.memory_space<hbm>>
      %dma_start3A_90 = tpu.memref_squeeze %dma_start3A_89 : memref<1x16xf32, #tpu.memory_space<hbm>> -> memref<16xf32, #tpu.memory_space<hbm>>
      %dma_start3A_91 = arith.constant 0 : i32
      %dma_start3A_92 = tpu.memref_slice %arg4[%arg0, %dma_start3A_91] : memref<2x16xf32, #tpu.memory_space<hbm>> -> memref<1x16xf32, #tpu.memory_space<hbm>>
      %dma_start3A_93 = tpu.memref_squeeze %dma_start3A_92 : memref<1x16xf32, #tpu.memory_space<hbm>> -> memref<16xf32, #tpu.memory_space<hbm>>
      tpu.enqueue_dma source(%dma_start3A_93 : memref<16xf32, #tpu.memory_space<hbm>>) target(%arg17 : memref<16xf32, #tpu.memory_space<vmem>>) target_semaphore(%run_scoped3A : memref<!tpu.dma_semaphore, #tpu.memory_space<semaphore_mem>>)
      %dma_wait3A_94 = arith.constant 0 : i32
      %dma_wait3A_95 = tpu.memref_slice %arg4[%arg0, %dma_wait3A_94] : memref<2x16xf32, #tpu.memory_space<hbm>> -> memref<1x16xf32, #tpu.memory_space<hbm>>
      %dma_wait3A_96 = tpu.memref_squeeze %dma_wait3A_95 : memref<1x16xf32, #tpu.memory_space<hbm>> -> memref<16xf32, #tpu.memory_space<hbm>>
      %dma_wait3A_97 = arith.constant 0 : i32
      %dma_wait3A_98 = tpu.memref_slice %arg4[%arg0, %dma_wait3A_97] : memref<2x16xf32, #tpu.memory_space<hbm>> -> memref<1x16xf32, #tpu.memory_space<hbm>>
      %dma_wait3A_99 = tpu.memref_squeeze %dma_wait3A_98 : memref<1x16xf32, #tpu.memory_space<hbm>> -> memref<16xf32, #tpu.memory_space<hbm>>
      tpu.wait_dma2 semaphore(%run_scoped3A : memref<!tpu.dma_semaphore, #tpu.memory_space<semaphore_mem>>) src(%dma_wait3A_99 : memref<16xf32, #tpu.memory_space<hbm>>) dst(%arg17 : memref<16xf32, #tpu.memory_space<vmem>>)
      tpu.yield
    }) : () -> ()
    %scan3A = arith.constant 0 : i32
    %scan3A_0 = arith.constant 0 : i32
    %scan3A_1 = arith.constant 80 : i32
    %scan3A_2 = arith.addi %scan3A_0, %scan3A_1 : i32
    %scan3A_3 = arith.constant 1 : i32
    scf.for %scan3A_89 = %scan3A_0 to %scan3A_2 step %scan3A_3  : i32 {
      %broadcast_in_dim3A = arith.constant 0.000000e+00 : f32
      %broadcast_in_dim3A_90 = vector.broadcast %broadcast_in_dim3A : f32 to vector<16xf32>
      %swap3A = arith.index_cast %scan3A_89 : i32 to index
      %swap3A_91 = arith.constant 0 : index
      %swap3A_92 = tpu.vector_load %arg11[%swap3A, %swap3A_91] {strides = array<i32>} : memref<80x144xf32, #tpu.memory_space<vmem>>, vector<1x16xf32>,
      %swap3A_93 = vector.shape_cast %swap3A_92 : vector<1x16xf32> to vector<16xf32>
      %swap3A_94 = vector.shape_cast %broadcast_in_dim3A_90 : vector<16xf32> to vector<1x16xf32>
      tpu.vector_store %arg11[%swap3A, %swap3A_91], %swap3A_94 {strides = array<i32>} : memref<80x144xf32, #tpu.memory_space<vmem>>, vector<1x16xf32>,
      %broadcast_in_dim3A_95 = arith.constant 0.000000e+00 : f32
      %broadcast_in_dim3A_96 = vector.broadcast %broadcast_in_dim3A_95 : f32 to vector<16xf32>
      %swap3A_97 = arith.index_cast %scan3A_89 : i32 to index
      %swap3A_98 = arith.constant 16 : index
      %swap3A_99 = tpu.vector_load %arg11[%swap3A_97, %swap3A_98] {strides = array<i32>} : memref<80x144xf32, #tpu.memory_space<vmem>>, vector<1x16xf32>,
      %swap3A_100 = vector.shape_cast %swap3A_99 : vector<1x16xf32> to vector<16xf32>
      %swap3A_101 = vector.shape_cast %broadcast_in_dim3A_96 : vector<16xf32> to vector<1x16xf32>
      tpu.vector_store %arg11[%swap3A_97, %swap3A_98], %swap3A_101 {strides = array<i32>} : memref<80x144xf32, #tpu.memory_space<vmem>>, vector<1x16xf32>,
      %broadcast_in_dim3A_102 = arith.constant 0.000000e+00 : f32
      %broadcast_in_dim3A_103 = vector.broadcast %broadcast_in_dim3A_102 : f32 to vector<16xf32>
      %swap3A_104 = arith.index_cast %scan3A_89 : i32 to index
      %swap3A_105 = arith.constant 32 : index
      %swap3A_106 = tpu.vector_load %arg11[%swap3A_104, %swap3A_105] {strides = array<i32>} : memref<80x144xf32, #tpu.memory_space<vmem>>, vector<1x16xf32>,
      %swap3A_107 = vector.shape_cast %swap3A_106 : vector<1x16xf32> to vector<16xf32>
      %swap3A_108 = vector.shape_cast %broadcast_in_dim3A_103 : vector<16xf32> to vector<1x16xf32>
      tpu.vector_store %arg11[%swap3A_104, %swap3A_105], %swap3A_108 {strides = array<i32>} : memref<80x144xf32, #tpu.memory_space<vmem>>, vector<1x16xf32>,
      %broadcast_in_dim3A_109 = arith.constant 0.000000e+00 : f32
      %broadcast_in_dim3A_110 = vector.broadcast %broadcast_in_dim3A_109 : f32 to vector<16xf32>
      %swap3A_111 = arith.index_cast %scan3A_89 : i32 to index
      %swap3A_112 = arith.constant 48 : index
      %swap3A_113 = tpu.vector_load %arg11[%swap3A_111, %swap3A_112] {strides = array<i32>} : memref<80x144xf32, #tpu.memory_space<vmem>>, vector<1x16xf32>,
      %swap3A_114 = vector.shape_cast %swap3A_113 : vector<1x16xf32> to vector<16xf32>
      %swap3A_115 = vector.shape_cast %broadcast_in_dim3A_110 : vector<16xf32> to vector<1x16xf32>
      tpu.vector_store %arg11[%swap3A_111, %swap3A_112], %swap3A_115 {strides = array<i32>} : memref<80x144xf32, #tpu.memory_space<vmem>>, vector<1x16xf32>,
      %broadcast_in_dim3A_116 = arith.constant 0.000000e+00 : f32
      %broadcast_in_dim3A_117 = vector.broadcast %broadcast_in_dim3A_116 : f32 to vector<16xf32>
      %swap3A_118 = arith.index_cast %scan3A_89 : i32 to index
      %swap3A_119 = arith.constant 64 : index
      %swap3A_120 = tpu.vector_load %arg11[%swap3A_118, %swap3A_119] {strides = array<i32>} : memref<80x144xf32, #tpu.memory_space<vmem>>, vector<1x16xf32>,
      %swap3A_121 = vector.shape_cast %swap3A_120 : vector<1x16xf32> to vector<16xf32>
      %swap3A_122 = vector.shape_cast %broadcast_in_dim3A_117 : vector<16xf32> to vector<1x16xf32>
      tpu.vector_store %arg11[%swap3A_118, %swap3A_119], %swap3A_122 {strides = array<i32>} : memref<80x144xf32, #tpu.memory_space<vmem>>, vector<1x16xf32>,
      %broadcast_in_dim3A_123 = arith.constant 0.000000e+00 : f32
      %broadcast_in_dim3A_124 = vector.broadcast %broadcast_in_dim3A_123 : f32 to vector<16xf32>
      %swap3A_125 = arith.index_cast %scan3A_89 : i32 to index
      %swap3A_126 = arith.constant 80 : index
      %swap3A_127 = tpu.vector_load %arg11[%swap3A_125, %swap3A_126] {strides = array<i32>} : memref<80x144xf32, #tpu.memory_space<vmem>>, vector<1x16xf32>,
      %swap3A_128 = vector.shape_cast %swap3A_127 : vector<1x16xf32> to vector<16xf32>
      %swap3A_129 = vector.shape_cast %broadcast_in_dim3A_124 : vector<16xf32> to vector<1x16xf32>
      tpu.vector_store %arg11[%swap3A_125, %swap3A_126], %swap3A_129 {strides = array<i32>} : memref<80x144xf32, #tpu.memory_space<vmem>>, vector<1x16xf32>,
      %broadcast_in_dim3A_130 = arith.constant 0.000000e+00 : f32
      %broadcast_in_dim3A_131 = vector.broadcast %broadcast_in_dim3A_130 : f32 to vector<16xf32>
      %swap3A_132 = arith.index_cast %scan3A_89 : i32 to index
      %swap3A_133 = arith.constant 96 : index
      %swap3A_134 = tpu.vector_load %arg11[%swap3A_132, %swap3A_133] {strides = array<i32>} : memref<80x144xf32, #tpu.memory_space<vmem>>, vector<1x16xf32>,
      %swap3A_135 = vector.shape_cast %swap3A_134 : vector<1x16xf32> to vector<16xf32>
      %swap3A_136 = vector.shape_cast %broadcast_in_dim3A_131 : vector<16xf32> to vector<1x16xf32>
      tpu.vector_store %arg11[%swap3A_132, %swap3A_133], %swap3A_136 {strides = array<i32>} : memref<80x144xf32, #tpu.memory_space<vmem>>, vector<1x16xf32>,
      %broadcast_in_dim3A_137 = arith.constant 0.000000e+00 : f32
      %broadcast_in_dim3A_138 = vector.broadcast %broadcast_in_dim3A_137 : f32 to vector<16xf32>
      %swap3A_139 = arith.index_cast %scan3A_89 : i32 to index
      %swap3A_140 = arith.constant 112 : index
      %swap3A_141 = tpu.vector_load %arg11[%swap3A_139, %swap3A_140] {strides = array<i32>} : memref<80x144xf32, #tpu.memory_space<vmem>>, vector<1x16xf32>,
      %swap3A_142 = vector.shape_cast %swap3A_141 : vector<1x16xf32> to vector<16xf32>
      %swap3A_143 = vector.shape_cast %broadcast_in_dim3A_138 : vector<16xf32> to vector<1x16xf32>
      tpu.vector_store %arg11[%swap3A_139, %swap3A_140], %swap3A_143 {strides = array<i32>} : memref<80x144xf32, #tpu.memory_space<vmem>>, vector<1x16xf32>,
      %broadcast_in_dim3A_144 = arith.constant 0.000000e+00 : f32
      %broadcast_in_dim3A_145 = vector.broadcast %broadcast_in_dim3A_144 : f32 to vector<16xf32>
      %swap3A_146 = arith.index_cast %scan3A_89 : i32 to index
      %swap3A_147 = arith.constant 128 : index
      %swap3A_148 = tpu.vector_load %arg11[%swap3A_146, %swap3A_147] {strides = array<i32>} : memref<80x144xf32, #tpu.memory_space<vmem>>, vector<1x16xf32>,
      %swap3A_149 = vector.shape_cast %swap3A_148 : vector<1x16xf32> to vector<16xf32>
      %swap3A_150 = vector.shape_cast %broadcast_in_dim3A_145 : vector<16xf32> to vector<1x16xf32>
      tpu.vector_store %arg11[%swap3A_146, %swap3A_147], %swap3A_150 {strides = array<i32>} : memref<80x144xf32, #tpu.memory_space<vmem>>, vector<1x16xf32>,
    }
    %scan3A_4 = arith.constant 80 : i32
    %mul3A = arith.constant 640 : i32
    %mul3A_5 = arith.muli %arg1, %mul3A : i32
    %add3A = arith.constant 0 : i32
    %add3A_6 = arith.addi %mul3A_5, %add3A : i32
    "tpu.region"() ({
      %run_scoped3A = tpu.sem_alloc : memref<!tpu.dma_semaphore, #tpu.memory_space<semaphore_mem>>
      %dma_start3A = arith.constant 0 : i32
      %dma_start3A_89 = tpu.memref_slice %arg9[%add3A_6, %dma_start3A] : memref<10240x144xf32, #tpu.memory_space<vmem_shared>> -> memref<80x144xf32, #tpu.memory_space<vmem_shared>>
      %dma_start3A_90 = arith.constant 0 : i32
      %dma_start3A_91 = tpu.memref_slice %arg9[%add3A_6, %dma_start3A_90] : memref<10240x144xf32, #tpu.memory_space<vmem_shared>> -> memref<80x144xf32, #tpu.memory_space<vmem_shared>>
      tpu.enqueue_dma source(%arg11 : memref<80x144xf32, #tpu.memory_space<vmem>>) target(%dma_start3A_91 : memref<80x144xf32, #tpu.memory_space<vmem_shared>>) target_semaphore(%run_scoped3A : memref<!tpu.dma_semaphore, #tpu.memory_space<semaphore_mem>>)
      %dma_wait3A_92 = arith.constant 0 : i32
      %dma_wait3A_93 = tpu.memref_slice %arg9[%add3A_6, %dma_wait3A_92] : memref<10240x144xf32, #tpu.memory_space<vmem_shared>> -> memref<80x144xf32, #tpu.memory_space<vmem_shared>>
      %dma_wait3A_94 = arith.constant 0 : i32
      %dma_wait3A_95 = tpu.memref_slice %arg9[%add3A_6, %dma_wait3A_94] : memref<10240x144xf32, #tpu.memory_space<vmem_shared>> -> memref<80x144xf32, #tpu.memory_space<vmem_shared>>
      tpu.wait_dma2 semaphore(%run_scoped3A : memref<!tpu.dma_semaphore, #tpu.memory_space<semaphore_mem>>) src(%arg11 : memref<80x144xf32, #tpu.memory_space<vmem>>) dst(%dma_wait3A_95 : memref<80x144xf32, #tpu.memory_space<vmem_shared>>)
      tpu.yield
    }) : () -> ()
    %mul3A_7 = arith.constant 640 : i32
    %mul3A_8 = arith.muli %arg1, %mul3A_7 : i32
    %add3A_9 = arith.constant 80 : i32
    %add3A_10 = arith.addi %mul3A_8, %add3A_9 : i32
    "tpu.region"() ({
      %run_scoped3A = tpu.sem_alloc : memref<!tpu.dma_semaphore, #tpu.memory_space<semaphore_mem>>
      %dma_start3A = arith.constant 0 : i32
      %dma_start3A_89 = tpu.memref_slice %arg9[%add3A_10, %dma_start3A] : memref<10240x144xf32, #tpu.memory_space<vmem_shared>> -> memref<80x144xf32, #tpu.memory_space<vmem_shared>>
      %dma_start3A_90 = arith.constant 0 : i32
      %dma_start3A_91 = tpu.memref_slice %arg9[%add3A_10, %dma_start3A_90] : memref<10240x144xf32, #tpu.memory_space<vmem_shared>> -> memref<80x144xf32, #tpu.memory_space<vmem_shared>>
      tpu.enqueue_dma source(%arg11 : memref<80x144xf32, #tpu.memory_space<vmem>>) target(%dma_start3A_91 : memref<80x144xf32, #tpu.memory_space<vmem_shared>>) target_semaphore(%run_scoped3A : memref<!tpu.dma_semaphore, #tpu.memory_space<semaphore_mem>>)
      %dma_wait3A_92 = arith.constant 0 : i32
      %dma_wait3A_93 = tpu.memref_slice %arg9[%add3A_10, %dma_wait3A_92] : memref<10240x144xf32, #tpu.memory_space<vmem_shared>> -> memref<80x144xf32, #tpu.memory_space<vmem_shared>>
      %dma_wait3A_94 = arith.constant 0 : i32
      %dma_wait3A_95 = tpu.memref_slice %arg9[%add3A_10, %dma_wait3A_94] : memref<10240x144xf32, #tpu.memory_space<vmem_shared>> -> memref<80x144xf32, #tpu.memory_space<vmem_shared>>
      tpu.wait_dma2 semaphore(%run_scoped3A : memref<!tpu.dma_semaphore, #tpu.memory_space<semaphore_mem>>) src(%arg11 : memref<80x144xf32, #tpu.memory_space<vmem>>) dst(%dma_wait3A_95 : memref<80x144xf32, #tpu.memory_space<vmem_shared>>)
      tpu.yield
    }) : () -> ()
    %mul3A_11 = arith.constant 640 : i32
    %mul3A_12 = arith.muli %arg1, %mul3A_11 : i32
    %add3A_13 = arith.constant 160 : i32
    %add3A_14 = arith.addi %mul3A_12, %add3A_13 : i32
    "tpu.region"() ({
      %run_scoped3A = tpu.sem_alloc : memref<!tpu.dma_semaphore, #tpu.memory_space<semaphore_mem>>
      %dma_start3A = arith.constant 0 : i32
      %dma_start3A_89 = tpu.memref_slice %arg9[%add3A_14, %dma_start3A] : memref<10240x144xf32, #tpu.memory_space<vmem_shared>> -> memref<80x144xf32, #tpu.memory_space<vmem_shared>>
      %dma_start3A_90 = arith.constant 0 : i32
      %dma_start3A_91 = tpu.memref_slice %arg9[%add3A_14, %dma_start3A_90] : memref<10240x144xf32, #tpu.memory_space<vmem_shared>> -> memref<80x144xf32, #tpu.memory_space<vmem_shared>>
      tpu.enqueue_dma source(%arg11 : memref<80x144xf32, #tpu.memory_space<vmem>>) target(%dma_start3A_91 : memref<80x144xf32, #tpu.memory_space<vmem_shared>>) target_semaphore(%run_scoped3A : memref<!tpu.dma_semaphore, #tpu.memory_space<semaphore_mem>>)
      %dma_wait3A_92 = arith.constant 0 : i32
      %dma_wait3A_93 = tpu.memref_slice %arg9[%add3A_14, %dma_wait3A_92] : memref<10240x144xf32, #tpu.memory_space<vmem_shared>> -> memref<80x144xf32, #tpu.memory_space<vmem_shared>>
      %dma_wait3A_94 = arith.constant 0 : i32
      %dma_wait3A_95 = tpu.memref_slice %arg9[%add3A_14, %dma_wait3A_94] : memref<10240x144xf32, #tpu.memory_space<vmem_shared>> -> memref<80x144xf32, #tpu.memory_space<vmem_shared>>
      tpu.wait_dma2 semaphore(%run_scoped3A : memref<!tpu.dma_semaphore, #tpu.memory_space<semaphore_mem>>) src(%arg11 : memref<80x144xf32, #tpu.memory_space<vmem>>) dst(%dma_wait3A_95 : memref<80x144xf32, #tpu.memory_space<vmem_shared>>)
      tpu.yield
    }) : () -> ()
    %mul3A_15 = arith.constant 640 : i32
    %mul3A_16 = arith.muli %arg1, %mul3A_15 : i32
    %add3A_17 = arith.constant 240 : i32
    %add3A_18 = arith.addi %mul3A_16, %add3A_17 : i32
    "tpu.region"() ({
      %run_scoped3A = tpu.sem_alloc : memref<!tpu.dma_semaphore, #tpu.memory_space<semaphore_mem>>
      %dma_start3A = arith.constant 0 : i32
      %dma_start3A_89 = tpu.memref_slice %arg9[%add3A_18, %dma_start3A] : memref<10240x144xf32, #tpu.memory_space<vmem_shared>> -> memref<80x144xf32, #tpu.memory_space<vmem_shared>>
      %dma_start3A_90 = arith.constant 0 : i32
      %dma_start3A_91 = tpu.memref_slice %arg9[%add3A_18, %dma_start3A_90] : memref<10240x144xf32, #tpu.memory_space<vmem_shared>> -> memref<80x144xf32, #tpu.memory_space<vmem_shared>>
      tpu.enqueue_dma source(%arg11 : memref<80x144xf32, #tpu.memory_space<vmem>>) target(%dma_start3A_91 : memref<80x144xf32, #tpu.memory_space<vmem_shared>>) target_semaphore(%run_scoped3A : memref<!tpu.dma_semaphore, #tpu.memory_space<semaphore_mem>>)
      %dma_wait3A_92 = arith.constant 0 : i32
      %dma_wait3A_93 = tpu.memref_slice %arg9[%add3A_18, %dma_wait3A_92] : memref<10240x144xf32, #tpu.memory_space<vmem_shared>> -> memref<80x144xf32, #tpu.memory_space<vmem_shared>>
      %dma_wait3A_94 = arith.constant 0 : i32
      %dma_wait3A_95 = tpu.memref_slice %arg9[%add3A_18, %dma_wait3A_94] : memref<10240x144xf32, #tpu.memory_space<vmem_shared>> -> memref<80x144xf32, #tpu.memory_space<vmem_shared>>
      tpu.wait_dma2 semaphore(%run_scoped3A : memref<!tpu.dma_semaphore, #tpu.memory_space<semaphore_mem>>) src(%arg11 : memref<80x144xf32, #tpu.memory_space<vmem>>) dst(%dma_wait3A_95 : memref<80x144xf32, #tpu.memory_space<vmem_shared>>)
      tpu.yield
    }) : () -> ()
    %mul3A_19 = arith.constant 640 : i32
    %mul3A_20 = arith.muli %arg1, %mul3A_19 : i32
    %add3A_21 = arith.constant 320 : i32
    %add3A_22 = arith.addi %mul3A_20, %add3A_21 : i32
    "tpu.region"() ({
      %run_scoped3A = tpu.sem_alloc : memref<!tpu.dma_semaphore, #tpu.memory_space<semaphore_mem>>
      %dma_start3A = arith.constant 0 : i32
      %dma_start3A_89 = tpu.memref_slice %arg9[%add3A_22, %dma_start3A] : memref<10240x144xf32, #tpu.memory_space<vmem_shared>> -> memref<80x144xf32, #tpu.memory_space<vmem_shared>>
      %dma_start3A_90 = arith.constant 0 : i32
      %dma_start3A_91 = tpu.memref_slice %arg9[%add3A_22, %dma_start3A_90] : memref<10240x144xf32, #tpu.memory_space<vmem_shared>> -> memref<80x144xf32, #tpu.memory_space<vmem_shared>>
      tpu.enqueue_dma source(%arg11 : memref<80x144xf32, #tpu.memory_space<vmem>>) target(%dma_start3A_91 : memref<80x144xf32, #tpu.memory_space<vmem_shared>>) target_semaphore(%run_scoped3A : memref<!tpu.dma_semaphore, #tpu.memory_space<semaphore_mem>>)
      %dma_wait3A_92 = arith.constant 0 : i32
      %dma_wait3A_93 = tpu.memref_slice %arg9[%add3A_22, %dma_wait3A_92] : memref<10240x144xf32, #tpu.memory_space<vmem_shared>> -> memref<80x144xf32, #tpu.memory_space<vmem_shared>>
      %dma_wait3A_94 = arith.constant 0 : i32
      %dma_wait3A_95 = tpu.memref_slice %arg9[%add3A_22, %dma_wait3A_94] : memref<10240x144xf32, #tpu.memory_space<vmem_shared>> -> memref<80x144xf32, #tpu.memory_space<vmem_shared>>
      tpu.wait_dma2 semaphore(%run_scoped3A : memref<!tpu.dma_semaphore, #tpu.memory_space<semaphore_mem>>) src(%arg11 : memref<80x144xf32, #tpu.memory_space<vmem>>) dst(%dma_wait3A_95 : memref<80x144xf32, #tpu.memory_space<vmem_shared>>)
      tpu.yield
    }) : () -> ()
    %mul3A_23 = arith.constant 640 : i32
    %mul3A_24 = arith.muli %arg1, %mul3A_23 : i32
    %add3A_25 = arith.constant 400 : i32
    %add3A_26 = arith.addi %mul3A_24, %add3A_25 : i32
    "tpu.region"() ({
      %run_scoped3A = tpu.sem_alloc : memref<!tpu.dma_semaphore, #tpu.memory_space<semaphore_mem>>
      %dma_start3A = arith.constant 0 : i32
      %dma_start3A_89 = tpu.memref_slice %arg9[%add3A_26, %dma_start3A] : memref<10240x144xf32, #tpu.memory_space<vmem_shared>> -> memref<80x144xf32, #tpu.memory_space<vmem_shared>>
      %dma_start3A_90 = arith.constant 0 : i32
      %dma_start3A_91 = tpu.memref_slice %arg9[%add3A_26, %dma_start3A_90] : memref<10240x144xf32, #tpu.memory_space<vmem_shared>> -> memref<80x144xf32, #tpu.memory_space<vmem_shared>>
      tpu.enqueue_dma source(%arg11 : memref<80x144xf32, #tpu.memory_space<vmem>>) target(%dma_start3A_91 : memref<80x144xf32, #tpu.memory_space<vmem_shared>>) target_semaphore(%run_scoped3A : memref<!tpu.dma_semaphore, #tpu.memory_space<semaphore_mem>>)
      %dma_wait3A_92 = arith.constant 0 : i32
      %dma_wait3A_93 = tpu.memref_slice %arg9[%add3A_26, %dma_wait3A_92] : memref<10240x144xf32, #tpu.memory_space<vmem_shared>> -> memref<80x144xf32, #tpu.memory_space<vmem_shared>>
      %dma_wait3A_94 = arith.constant 0 : i32
      %dma_wait3A_95 = tpu.memref_slice %arg9[%add3A_26, %dma_wait3A_94] : memref<10240x144xf32, #tpu.memory_space<vmem_shared>> -> memref<80x144xf32, #tpu.memory_space<vmem_shared>>
      tpu.wait_dma2 semaphore(%run_scoped3A : memref<!tpu.dma_semaphore, #tpu.memory_space<semaphore_mem>>) src(%arg11 : memref<80x144xf32, #tpu.memory_space<vmem>>) dst(%dma_wait3A_95 : memref<80x144xf32, #tpu.memory_space<vmem_shared>>)
      tpu.yield
    }) : () -> ()
    %mul3A_27 = arith.constant 640 : i32
    %mul3A_28 = arith.muli %arg1, %mul3A_27 : i32
    %add3A_29 = arith.constant 480 : i32
    %add3A_30 = arith.addi %mul3A_28, %add3A_29 : i32
    "tpu.region"() ({
      %run_scoped3A = tpu.sem_alloc : memref<!tpu.dma_semaphore, #tpu.memory_space<semaphore_mem>>
      %dma_start3A = arith.constant 0 : i32
      %dma_start3A_89 = tpu.memref_slice %arg9[%add3A_30, %dma_start3A] : memref<10240x144xf32, #tpu.memory_space<vmem_shared>> -> memref<80x144xf32, #tpu.memory_space<vmem_shared>>
      %dma_start3A_90 = arith.constant 0 : i32
      %dma_start3A_91 = tpu.memref_slice %arg9[%add3A_30, %dma_start3A_90] : memref<10240x144xf32, #tpu.memory_space<vmem_shared>> -> memref<80x144xf32, #tpu.memory_space<vmem_shared>>
      tpu.enqueue_dma source(%arg11 : memref<80x144xf32, #tpu.memory_space<vmem>>) target(%dma_start3A_91 : memref<80x144xf32, #tpu.memory_space<vmem_shared>>) target_semaphore(%run_scoped3A : memref<!tpu.dma_semaphore, #tpu.memory_space<semaphore_mem>>)
      %dma_wait3A_92 = arith.constant 0 : i32
      %dma_wait3A_93 = tpu.memref_slice %arg9[%add3A_30, %dma_wait3A_92] : memref<10240x144xf32, #tpu.memory_space<vmem_shared>> -> memref<80x144xf32, #tpu.memory_space<vmem_shared>>
      %dma_wait3A_94 = arith.constant 0 : i32
      %dma_wait3A_95 = tpu.memref_slice %arg9[%add3A_30, %dma_wait3A_94] : memref<10240x144xf32, #tpu.memory_space<vmem_shared>> -> memref<80x144xf32, #tpu.memory_space<vmem_shared>>
      tpu.wait_dma2 semaphore(%run_scoped3A : memref<!tpu.dma_semaphore, #tpu.memory_space<semaphore_mem>>) src(%arg11 : memref<80x144xf32, #tpu.memory_space<vmem>>) dst(%dma_wait3A_95 : memref<80x144xf32, #tpu.memory_space<vmem_shared>>)
      tpu.yield
    }) : () -> ()
    %mul3A_31 = arith.constant 640 : i32
    %mul3A_32 = arith.muli %arg1, %mul3A_31 : i32
    %add3A_33 = arith.constant 560 : i32
    %add3A_34 = arith.addi %mul3A_32, %add3A_33 : i32
    "tpu.region"() ({
      %run_scoped3A = tpu.sem_alloc : memref<!tpu.dma_semaphore, #tpu.memory_space<semaphore_mem>>
      %dma_start3A = arith.constant 0 : i32
      %dma_start3A_89 = tpu.memref_slice %arg9[%add3A_34, %dma_start3A] : memref<10240x144xf32, #tpu.memory_space<vmem_shared>> -> memref<80x144xf32, #tpu.memory_space<vmem_shared>>
      %dma_start3A_90 = arith.constant 0 : i32
      %dma_start3A_91 = tpu.memref_slice %arg9[%add3A_34, %dma_start3A_90] : memref<10240x144xf32, #tpu.memory_space<vmem_shared>> -> memref<80x144xf32, #tpu.memory_space<vmem_shared>>
      tpu.enqueue_dma source(%arg11 : memref<80x144xf32, #tpu.memory_space<vmem>>) target(%dma_start3A_91 : memref<80x144xf32, #tpu.memory_space<vmem_shared>>) target_semaphore(%run_scoped3A : memref<!tpu.dma_semaphore, #tpu.memory_space<semaphore_mem>>)
      %dma_wait3A_92 = arith.constant 0 : i32
      %dma_wait3A_93 = tpu.memref_slice %arg9[%add3A_34, %dma_wait3A_92] : memref<10240x144xf32, #tpu.memory_space<vmem_shared>> -> memref<80x144xf32, #tpu.memory_space<vmem_shared>>
      %dma_wait3A_94 = arith.constant 0 : i32
      %dma_wait3A_95 = tpu.memref_slice %arg9[%add3A_34, %dma_wait3A_94] : memref<10240x144xf32, #tpu.memory_space<vmem_shared>> -> memref<80x144xf32, #tpu.memory_space<vmem_shared>>
      tpu.wait_dma2 semaphore(%run_scoped3A : memref<!tpu.dma_semaphore, #tpu.memory_space<semaphore_mem>>) src(%arg11 : memref<80x144xf32, #tpu.memory_space<vmem>>) dst(%dma_wait3A_95 : memref<80x144xf32, #tpu.memory_space<vmem_shared>>)
      tpu.yield
    }) : () -> ()
    %barrier3A = arith.constant 0 : index
    tpu.barrier barrier_id(%barrier3A)
    %iota3A = tpu.iota {dimensions = array<i32: 0>} : vector<16xi32>
    %lt3A = arith.constant 8 : i32
    %lt3A_35 = vector.broadcast %lt3A : i32 to vector<16xi32>
    %lt3A_36 = arith.cmpi slt, %iota3A, %lt3A_35 : vector<16xi32>
    %get3A = arith.constant 0 : index
    %get3A_37 = tpu.vector_load %arg17[%get3A] {strides = array<i32>} : memref<16xf32, #tpu.memory_space<vmem>>, vector<16xf32>,
    %get3A_38 = vector.shape_cast %get3A_37 : vector<16xf32> to vector<16xf32>
    %mul3A_39 = arith.constant 4096 : i32
    %mul3A_40 = arith.muli %arg0, %mul3A_39 : i32
    %mul3A_41 = arith.constant 256 : i32
    %mul3A_42 = arith.muli %arg1, %mul3A_41 : i32
    %add3A_43 = arith.addi %mul3A_40, %mul3A_42 : i32
    %scan3A_44 = arith.constant 0 : i32
    %scan3A_45 = arith.constant 0 : i32
    %scan3A_46 = arith.constant 8 : i32
    %scan3A_47 = arith.addi %scan3A_45, %scan3A_46 : i32
    %scan3A_48 = arith.constant 1 : i32
    scf.for %scan3A_89 = %scan3A_45 to %scan3A_47 step %scan3A_48  : i32 {
      %ge3A = arith.constant 1 : i32
      %ge3A_90 = arith.cmpi sge, %scan3A_89, %ge3A : i32
      %convert_element_type3A = arith.extui %ge3A_90 : i1 to i32
      %cond3A = arith.constant 0 : i32
      %cond3A_91 = arith.cmpi ne, %convert_element_type3A, %cond3A : i32
      scf.if %cond3A_91 {
        %dma_wait3A_114 = arith.constant 0 : i32
        %dma_wait3A_115 = arith.constant 0 : i32
        %dma_wait3A_116 = tpu.memref_slice %arg16[%dma_wait3A_114, %dma_wait3A_115] : memref<32x80xi32, #tpu.memory_space<vmem>> -> memref<1x80xi32, #tpu.memory_space<vmem>>
        %dma_wait3A_117 = tpu.memref_squeeze %dma_wait3A_116 : memref<1x80xi32, #tpu.memory_space<vmem>> -> memref<80xi32, #tpu.memory_space<vmem>>
        %dma_wait3A_118 = arith.constant 0 : i32
        %dma_wait3A_119 = arith.constant 0 : i32
        %dma_wait3A_120 = tpu.memref_slice %arg9[%dma_wait3A_118, %dma_wait3A_119] : memref<10240x144xf32, #tpu.memory_space<vmem_shared>> -> memref<10240x144xf32, #tpu.memory_space<vmem_shared>>
        tpu.wait_indirect_dma semaphore(%arg23 : memref<!tpu.dma_semaphore, #tpu.memory_space<semaphore_mem>>) src(%arg11 : memref<80x144xf32, #tpu.memory_space<vmem>>) dst(%dma_wait3A_120 : memref<10240x144xf32, #tpu.memory_space<vmem_shared>>)
      } else {
      }
      %mul3A_92 = arith.constant 32 : i32
      %mul3A_93 = arith.muli %scan3A_89, %mul3A_92 : i32
      %add3A_94 = arith.addi %add3A_43, %mul3A_93 : i32
      "tpu.region"() ({
        %run_scoped3A = tpu.sem_alloc : memref<!tpu.dma_semaphore, #tpu.memory_space<semaphore_mem>>
        %dma_start3A_114 = arith.constant 0 : i32
        %dma_start3A_115 = tpu.memref_slice %arg5[%add3A_94, %dma_start3A_114] : memref<8192x80xi32, #tpu.memory_space<hbm>> -> memref<32x80xi32, #tpu.memory_space<hbm>>
        %dma_start3A_116 = arith.constant 0 : i32
        %dma_start3A_117 = tpu.memref_slice %arg5[%add3A_94, %dma_start3A_116] : memref<8192x80xi32, #tpu.memory_space<hbm>> -> memref<32x80xi32, #tpu.memory_space<hbm>>
        tpu.enqueue_dma source(%dma_start3A_117 : memref<32x80xi32, #tpu.memory_space<hbm>>) target(%arg14 : memref<32x80xi32, #tpu.memory_space<vmem>>) target_semaphore(%run_scoped3A : memref<!tpu.dma_semaphore, #tpu.memory_space<semaphore_mem>>)
        %dma_wait3A_118 = arith.constant 0 : i32
        %dma_wait3A_119 = tpu.memref_slice %arg5[%add3A_94, %dma_wait3A_118] : memref<8192x80xi32, #tpu.memory_space<hbm>> -> memref<32x80xi32, #tpu.memory_space<hbm>>
        %dma_wait3A_120 = arith.constant 0 : i32
        %dma_wait3A_121 = tpu.memref_slice %arg5[%add3A_94, %dma_wait3A_120] : memref<8192x80xi32, #tpu.memory_space<hbm>> -> memref<32x80xi32, #tpu.memory_space<hbm>>
        tpu.wait_dma2 semaphore(%run_scoped3A : memref<!tpu.dma_semaphore, #tpu.memory_space<semaphore_mem>>) src(%dma_wait3A_121 : memref<32x80xi32, #tpu.memory_space<hbm>>) dst(%arg14 : memref<32x80xi32, #tpu.memory_space<vmem>>)
        tpu.yield
      }) : () -> ()
      "tpu.region"() ({
        %run_scoped3A = tpu.sem_alloc : memref<!tpu.dma_semaphore, #tpu.memory_space<semaphore_mem>>
        %dma_start3A_114 = arith.constant 0 : i32
        %dma_start3A_115 = tpu.memref_slice %arg6[%add3A_94, %dma_start3A_114] : memref<8192x80xi32, #tpu.memory_space<hbm>> -> memref<32x80xi32, #tpu.memory_space<hbm>>
        %dma_start3A_116 = arith.constant 0 : i32
        %dma_start3A_117 = tpu.memref_slice %arg6[%add3A_94, %dma_start3A_116] : memref<8192x80xi32, #tpu.memory_space<hbm>> -> memref<32x80xi32, #tpu.memory_space<hbm>>
        tpu.enqueue_dma source(%dma_start3A_117 : memref<32x80xi32, #tpu.memory_space<hbm>>) target(%arg15 : memref<32x80xi32, #tpu.memory_space<vmem>>) target_semaphore(%run_scoped3A : memref<!tpu.dma_semaphore, #tpu.memory_space<semaphore_mem>>)
        %dma_wait3A_118 = arith.constant 0 : i32
        %dma_wait3A_119 = tpu.memref_slice %arg6[%add3A_94, %dma_wait3A_118] : memref<8192x80xi32, #tpu.memory_space<hbm>> -> memref<32x80xi32, #tpu.memory_space<hbm>>
        %dma_wait3A_120 = arith.constant 0 : i32
        %dma_wait3A_121 = tpu.memref_slice %arg6[%add3A_94, %dma_wait3A_120] : memref<8192x80xi32, #tpu.memory_space<hbm>> -> memref<32x80xi32, #tpu.memory_space<hbm>>
        tpu.wait_dma2 semaphore(%run_scoped3A : memref<!tpu.dma_semaphore, #tpu.memory_space<semaphore_mem>>) src(%dma_wait3A_121 : memref<32x80xi32, #tpu.memory_space<hbm>>) dst(%arg15 : memref<32x80xi32, #tpu.memory_space<vmem>>)
        tpu.yield
      }) : () -> ()
      "tpu.region"() ({
        %run_scoped3A = tpu.sem_alloc : memref<!tpu.dma_semaphore, #tpu.memory_space<semaphore_mem>>
        %dma_start3A_114 = arith.constant 0 : i32
        %dma_start3A_115 = tpu.memref_slice %arg7[%add3A_94, %dma_start3A_114] : memref<8192x80xi32, #tpu.memory_space<hbm>> -> memref<32x80xi32, #tpu.memory_space<hbm>>
        %dma_start3A_116 = arith.constant 0 : i32
        %dma_start3A_117 = tpu.memref_slice %arg7[%add3A_94, %dma_start3A_116] : memref<8192x80xi32, #tpu.memory_space<hbm>> -> memref<32x80xi32, #tpu.memory_space<hbm>>
        tpu.enqueue_dma source(%dma_start3A_117 : memref<32x80xi32, #tpu.memory_space<hbm>>) target(%arg16 : memref<32x80xi32, #tpu.memory_space<vmem>>) target_semaphore(%run_scoped3A : memref<!tpu.dma_semaphore, #tpu.memory_space<semaphore_mem>>)
        %dma_wait3A_118 = arith.constant 0 : i32
        %dma_wait3A_119 = tpu.memref_slice %arg7[%add3A_94, %dma_wait3A_118] : memref<8192x80xi32, #tpu.memory_space<hbm>> -> memref<32x80xi32, #tpu.memory_space<hbm>>
        %dma_wait3A_120 = arith.constant 0 : i32
        %dma_wait3A_121 = tpu.memref_slice %arg7[%add3A_94, %dma_wait3A_120] : memref<8192x80xi32, #tpu.memory_space<hbm>> -> memref<32x80xi32, #tpu.memory_space<hbm>>
        tpu.wait_dma2 semaphore(%run_scoped3A : memref<!tpu.dma_semaphore, #tpu.memory_space<semaphore_mem>>) src(%dma_wait3A_121 : memref<32x80xi32, #tpu.memory_space<hbm>>) dst(%arg16 : memref<32x80xi32, #tpu.memory_space<vmem>>)
        tpu.yield
      }) : () -> ()
      %dma_start3A = arith.constant 0 : i32
      %dma_start3A_95 = arith.constant 0 : i32
      %dma_start3A_96 = tpu.memref_slice %arg14[%dma_start3A, %dma_start3A_95] : memref<32x80xi32, #tpu.memory_space<vmem>> -> memref<1x80xi32, #tpu.memory_space<vmem>>
      %dma_start3A_97 = tpu.memref_squeeze %dma_start3A_96 : memref<1x80xi32, #tpu.memory_space<vmem>> -> memref<80xi32, #tpu.memory_space<vmem>>
      %dma_start3A_98 = arith.constant 0 : i32
      %dma_start3A_99 = arith.constant 0 : i32
      %dma_start3A_100 = tpu.memref_slice %arg2[%dma_start3A_98, %dma_start3A_99] : memref<20000x144xf32, #tpu.memory_space<hbm>> -> memref<20000x144xf32, #tpu.memory_space<hbm>>
      tpu.enqueue_indirect_dma source(%dma_start3A_100 : memref<20000x144xf32, #tpu.memory_space<hbm>>) target(%arg10 : memref<80x144xf32, #tpu.memory_space<vmem>>) offsets(%dma_start3A_97 : memref<80xi32, #tpu.memory_space<vmem>>) semaphore(%arg18 : memref<!tpu.dma_semaphore, #tpu.memory_space<semaphore_mem>>)
      %dma_start3A_101 = arith.constant 0 : i32
      %dma_start3A_102 = arith.constant 0 : i32
      %dma_start3A_103 = tpu.memref_slice %arg15[%dma_start3A_101, %dma_start3A_102] : memref<32x80xi32, #tpu.memory_space<vmem>> -> memref<1x80xi32, #tpu.memory_space<vmem>>
      %dma_start3A_104 = tpu.memref_squeeze %dma_start3A_103 : memref<1x80xi32, #tpu.memory_space<vmem>> -> memref<80xi32, #tpu.memory_space<vmem>>
      %dma_start3A_105 = arith.constant 0 : i32
      %dma_start3A_106 = arith.constant 0 : i32
      %dma_start3A_107 = tpu.memref_slice %arg3[%dma_start3A_105, %dma_start3A_106] : memref<20000x16xf32, #tpu.memory_space<hbm>> -> memref<20000x16xf32, #tpu.memory_space<hbm>>
      tpu.enqueue_indirect_dma source(%dma_start3A_107 : memref<20000x16xf32, #tpu.memory_space<hbm>>) target(%arg12 : memref<80x16xf32, #tpu.memory_space<vmem>>) offsets(%dma_start3A_104 : memref<80xi32, #tpu.memory_space<vmem>>) semaphore(%arg20 : memref<!tpu.dma_semaphore, #tpu.memory_space<semaphore_mem>>)
      %scan3A_108 = arith.constant 0 : i32
      %scan3A_109 = arith.constant 0 : i32
      %scan3A_110 = arith.constant 16 : i32
      %scan3A_111 = arith.addi %scan3A_109, %scan3A_110 : i32
      %scan3A_112 = arith.constant 1 : i32
      scf.for %scan3A_114 = %scan3A_109 to %scan3A_111 step %scan3A_112  : i32 {
        %mul3A_115 = arith.constant 2 : i32
        %mul3A_116 = arith.muli %mul3A_115, %scan3A_114 : i32
        %ge3A_117 = arith.constant 1 : i32
        %ge3A_118 = arith.cmpi sge, %mul3A_116, %ge3A_117 : i32
        %convert_element_type3A_119 = arith.extui %ge3A_118 : i1 to i32
        %cond3A_120 = arith.constant 0 : i32
        %cond3A_121 = arith.cmpi ne, %convert_element_type3A_119, %cond3A_120 : i32
        scf.if %cond3A_121 {
          %dma_wait3A_186 = arith.constant 0 : i32
          %dma_wait3A_187 = tpu.memref_slice %arg16[%mul3A_116, %dma_wait3A_186] : memref<32x80xi32, #tpu.memory_space<vmem>> -> memref<1x80xi32, #tpu.memory_space<vmem>>
          %dma_wait3A_188 = tpu.memref_squeeze %dma_wait3A_187 : memref<1x80xi32, #tpu.memory_space<vmem>> -> memref<80xi32, #tpu.memory_space<vmem>>
          %dma_wait3A_189 = arith.constant 0 : i32
          %dma_wait3A_190 = arith.constant 0 : i32
          %dma_wait3A_191 = tpu.memref_slice %arg9[%dma_wait3A_189, %dma_wait3A_190] : memref<10240x144xf32, #tpu.memory_space<vmem_shared>> -> memref<10240x144xf32, #tpu.memory_space<vmem_shared>>
          tpu.wait_indirect_dma semaphore(%arg23 : memref<!tpu.dma_semaphore, #tpu.memory_space<semaphore_mem>>) src(%arg11 : memref<80x144xf32, #tpu.memory_space<vmem>>) dst(%dma_wait3A_191 : memref<10240x144xf32, #tpu.memory_space<vmem_shared>>)
        } else {
        }
        %add3A_122 = arith.constant 1 : i32
        %add3A_123 = arith.addi %mul3A_116, %add3A_122 : i32
        %lt3A_124 = arith.constant 32 : i32
        %lt3A_125 = arith.cmpi slt, %add3A_123, %lt3A_124 : i32
        %convert_element_type3A_126 = arith.extui %lt3A_125 : i1 to i32
        %cond3A_127 = arith.constant 0 : i32
        %cond3A_128 = arith.cmpi ne, %convert_element_type3A_126, %cond3A_127 : i32
        scf.if %cond3A_128 {
          %add3A_186 = arith.constant 1 : i32
          %add3A_187 = arith.addi %mul3A_116, %add3A_186 : i32
          %dma_start3A_188 = arith.constant 0 : i32
          %dma_start3A_189 = tpu.memref_slice %arg14[%add3A_187, %dma_start3A_188] : memref<32x80xi32, #tpu.memory_space<vmem>> -> memref<1x80xi32, #tpu.memory_space<vmem>>
          %dma_start3A_190 = tpu.memref_squeeze %dma_start3A_189 : memref<1x80xi32, #tpu.memory_space<vmem>> -> memref<80xi32, #tpu.memory_space<vmem>>
          %dma_start3A_191 = arith.constant 0 : i32
          %dma_start3A_192 = arith.constant 0 : i32
          %dma_start3A_193 = tpu.memref_slice %arg2[%dma_start3A_191, %dma_start3A_192] : memref<20000x144xf32, #tpu.memory_space<hbm>> -> memref<20000x144xf32, #tpu.memory_space<hbm>>
          tpu.enqueue_indirect_dma source(%dma_start3A_193 : memref<20000x144xf32, #tpu.memory_space<hbm>>) target(%arg11 : memref<80x144xf32, #tpu.memory_space<vmem>>) offsets(%dma_start3A_190 : memref<80xi32, #tpu.memory_space<vmem>>) semaphore(%arg19 : memref<!tpu.dma_semaphore, #tpu.memory_space<semaphore_mem>>)
          %add3A_194 = arith.constant 1 : i32
          %add3A_195 = arith.addi %mul3A_116, %add3A_194 : i32
          %dma_start3A_196 = arith.constant 0 : i32
          %dma_start3A_197 = tpu.memref_slice %arg15[%add3A_195, %dma_start3A_196] : memref<32x80xi32, #tpu.memory_space<vmem>> -> memref<1x80xi32, #tpu.memory_space<vmem>>
          %dma_start3A_198 = tpu.memref_squeeze %dma_start3A_197 : memref<1x80xi32, #tpu.memory_space<vmem>> -> memref<80xi32, #tpu.memory_space<vmem>>
          %dma_start3A_199 = arith.constant 0 : i32
          %dma_start3A_200 = arith.constant 0 : i32
          %dma_start3A_201 = tpu.memref_slice %arg3[%dma_start3A_199, %dma_start3A_200] : memref<20000x16xf32, #tpu.memory_space<hbm>> -> memref<20000x16xf32, #tpu.memory_space<hbm>>
          tpu.enqueue_indirect_dma source(%dma_start3A_201 : memref<20000x16xf32, #tpu.memory_space<hbm>>) target(%arg13 : memref<80x16xf32, #tpu.memory_space<vmem>>) offsets(%dma_start3A_198 : memref<80xi32, #tpu.memory_space<vmem>>) semaphore(%arg21 : memref<!tpu.dma_semaphore, #tpu.memory_space<semaphore_mem>>)
        } else {
        }
        %dma_wait3A_129 = arith.constant 0 : i32
        %dma_wait3A_130 = tpu.memref_slice %arg14[%mul3A_116, %dma_wait3A_129] : memref<32x80xi32, #tpu.memory_space<vmem>> -> memref<1x80xi32, #tpu.memory_space<vmem>>
        %dma_wait3A_131 = tpu.memref_squeeze %dma_wait3A_130 : memref<1x80xi32, #tpu.memory_space<vmem>> -> memref<80xi32, #tpu.memory_space<vmem>>
        %dma_wait3A_132 = arith.constant 0 : i32
        %dma_wait3A_133 = arith.constant 0 : i32
        %dma_wait3A_134 = tpu.memref_slice %arg2[%dma_wait3A_132, %dma_wait3A_133] : memref<20000x144xf32, #tpu.memory_space<hbm>> -> memref<20000x144xf32, #tpu.memory_space<hbm>>
        tpu.wait_indirect_dma semaphore(%arg18 : memref<!tpu.dma_semaphore, #tpu.memory_space<semaphore_mem>>) src(%dma_wait3A_134 : memref<20000x144xf32, #tpu.memory_space<hbm>>) dst(%arg10 : memref<80x144xf32, #tpu.memory_space<vmem>>)
        %dma_wait3A_135 = arith.constant 0 : i32
        %dma_wait3A_136 = tpu.memref_slice %arg15[%mul3A_116, %dma_wait3A_135] : memref<32x80xi32, #tpu.memory_space<vmem>> -> memref<1x80xi32, #tpu.memory_space<vmem>>
        %dma_wait3A_137 = tpu.memref_squeeze %dma_wait3A_136 : memref<1x80xi32, #tpu.memory_space<vmem>> -> memref<80xi32, #tpu.memory_space<vmem>>
        %dma_wait3A_138 = arith.constant 0 : i32
        %dma_wait3A_139 = arith.constant 0 : i32
        %dma_wait3A_140 = tpu.memref_slice %arg3[%dma_wait3A_138, %dma_wait3A_139] : memref<20000x16xf32, #tpu.memory_space<hbm>> -> memref<20000x16xf32, #tpu.memory_space<hbm>>
        tpu.wait_indirect_dma semaphore(%arg20 : memref<!tpu.dma_semaphore, #tpu.memory_space<semaphore_mem>>) src(%dma_wait3A_140 : memref<20000x16xf32, #tpu.memory_space<hbm>>) dst(%arg12 : memref<80x16xf32, #tpu.memory_space<vmem>>)
        %parallel_loop3A = arith.constant 0 : i32
        %parallel_loop3A_141 = arith.constant 80 : i32
        %parallel_loop3A_142 = arith.constant 1 : i32
        scf.for %parallel_loop3A_186 = %parallel_loop3A to %parallel_loop3A_141 step %parallel_loop3A_142  : i32 {
          %parallel_loop3A_187 = arith.index_cast %parallel_loop3A_186 : i32 to index
          %parallel_loop3A_188 = arith.constant 128 : index
          %parallel_loop3A_189 = tpu.vector_load %arg10[%parallel_loop3A_187, %parallel_loop3A_188] {strides = array<i32>} : memref<80x144xf32, #tpu.memory_space<vmem>>, vector<1x16xf32>,
          %parallel_loop3A_190 = vector.shape_cast %parallel_loop3A_189 : vector<1x16xf32> to vector<16xf32>
          %parallel_loop3A_191 = arith.index_cast %parallel_loop3A_186 : i32 to index
          %parallel_loop3A_192 = arith.constant 0 : index
          %parallel_loop3A_193 = tpu.vector_load %arg12[%parallel_loop3A_191, %parallel_loop3A_192] {strides = array<i32>} : memref<80x16xf32, #tpu.memory_space<vmem>>, vector<1x16xf32>,
          %parallel_loop3A_194 = vector.shape_cast %parallel_loop3A_193 : vector<1x16xf32> to vector<16xf32>
          %parallel_loop3A_195 = arith.addf %parallel_loop3A_190, %parallel_loop3A_194 : vector<16xf32>
          %parallel_loop3A_196 = arith.constant 2.000000e-01 : f32
          %parallel_loop3A_197 = vector.broadcast %parallel_loop3A_196 : f32 to vector<16xf32>
          %parallel_loop3A_198 = arith.mulf %parallel_loop3A_197, %parallel_loop3A_195 : vector<16xf32>
          %parallel_loop3A_199 = arith.maximumf %parallel_loop3A_195, %parallel_loop3A_198 : vector<16xf32>
          %parallel_loop3A_200 = arith.subf %parallel_loop3A_199, %get3A_38 : vector<16xf32>
          %parallel_loop3A_201 = math.exp %parallel_loop3A_200 : vector<16xf32>
          %parallel_loop3A_202 = arith.constant 0.000000e+00 : f32
          %parallel_loop3A_203 = vector.broadcast %parallel_loop3A_202 : f32 to vector<16xf32>
          %parallel_loop3A_204 = arith.select %lt3A_36, %parallel_loop3A_201, %parallel_loop3A_203 : vector<16xi1>, vector<16xf32>
          %parallel_loop3A_205 = arith.index_cast %parallel_loop3A_186 : i32 to index
          %parallel_loop3A_206 = arith.constant 128 : index
          %parallel_loop3A_207 = tpu.vector_load %arg10[%parallel_loop3A_205, %parallel_loop3A_206] {strides = array<i32>} : memref<80x144xf32, #tpu.memory_space<vmem>>, vector<1x16xf32>,
          %parallel_loop3A_208 = vector.shape_cast %parallel_loop3A_207 : vector<1x16xf32> to vector<16xf32>
          %parallel_loop3A_209 = vector.shape_cast %parallel_loop3A_204 : vector<16xf32> to vector<1x16xf32>
          tpu.vector_store %arg10[%parallel_loop3A_205, %parallel_loop3A_206], %parallel_loop3A_209 {strides = array<i32>} : memref<80x144xf32, #tpu.memory_space<vmem>>, vector<1x16xf32>,
          %parallel_loop3A_210 = arith.index_cast %parallel_loop3A_186 : i32 to index
          %parallel_loop3A_211 = arith.constant 0 : index
          %parallel_loop3A_212 = tpu.vector_load %arg10[%parallel_loop3A_210, %parallel_loop3A_211] {strides = array<i32>} : memref<80x144xf32, #tpu.memory_space<vmem>>, vector<1x16xf32>,
          %parallel_loop3A_213 = vector.shape_cast %parallel_loop3A_212 : vector<1x16xf32> to vector<16xf32>
          %parallel_loop3A_214 = vector.extract_strided_slice %parallel_loop3A_204 {offsets = [0], sizes = [1], strides = [1]} : vector<16xf32> to vector<1xf32>
          %parallel_loop3A_215 = vector.extract %parallel_loop3A_214[0] : f32 from vector<1xf32>
          %parallel_loop3A_216 = vector.broadcast %parallel_loop3A_215 : f32 to vector<16xf32>
          %parallel_loop3A_217 = arith.mulf %parallel_loop3A_213, %parallel_loop3A_216 : vector<16xf32>
          %parallel_loop3A_218 = arith.index_cast %parallel_loop3A_186 : i32 to index
          %parallel_loop3A_219 = arith.constant 0 : index
          %parallel_loop3A_220 = tpu.vector_load %arg10[%parallel_loop3A_218, %parallel_loop3A_219] {strides = array<i32>} : memref<80x144xf32, #tpu.memory_space<vmem>>, vector<1x16xf32>,
          %parallel_loop3A_221 = vector.shape_cast %parallel_loop3A_220 : vector<1x16xf32> to vector<16xf32>
          %parallel_loop3A_222 = vector.shape_cast %parallel_loop3A_217 : vector<16xf32> to vector<1x16xf32>
          tpu.vector_store %arg10[%parallel_loop3A_218, %parallel_loop3A_219], %parallel_loop3A_222 {strides = array<i32>} : memref<80x144xf32, #tpu.memory_space<vmem>>, vector<1x16xf32>,
          %parallel_loop3A_223 = arith.index_cast %parallel_loop3A_186 : i32 to index
          %parallel_loop3A_224 = arith.constant 16 : index
          %parallel_loop3A_225 = tpu.vector_load %arg10[%parallel_loop3A_223, %parallel_loop3A_224] {strides = array<i32>} : memref<80x144xf32, #tpu.memory_space<vmem>>, vector<1x16xf32>,
          %parallel_loop3A_226 = vector.shape_cast %parallel_loop3A_225 : vector<1x16xf32> to vector<16xf32>
          %parallel_loop3A_227 = vector.extract_strided_slice %parallel_loop3A_204 {offsets = [1], sizes = [1], strides = [1]} : vector<16xf32> to vector<1xf32>
          %parallel_loop3A_228 = vector.extract %parallel_loop3A_227[0] : f32 from vector<1xf32>
          %parallel_loop3A_229 = vector.broadcast %parallel_loop3A_228 : f32 to vector<16xf32>
          %parallel_loop3A_230 = arith.mulf %parallel_loop3A_226, %parallel_loop3A_229 : vector<16xf32>
          %parallel_loop3A_231 = arith.index_cast %parallel_loop3A_186 : i32 to index
          %parallel_loop3A_232 = arith.constant 16 : index
          %parallel_loop3A_233 = tpu.vector_load %arg10[%parallel_loop3A_231, %parallel_loop3A_232] {strides = array<i32>} : memref<80x144xf32, #tpu.memory_space<vmem>>, vector<1x16xf32>,
          %parallel_loop3A_234 = vector.shape_cast %parallel_loop3A_233 : vector<1x16xf32> to vector<16xf32>
          %parallel_loop3A_235 = vector.shape_cast %parallel_loop3A_230 : vector<16xf32> to vector<1x16xf32>
          tpu.vector_store %arg10[%parallel_loop3A_231, %parallel_loop3A_232], %parallel_loop3A_235 {strides = array<i32>} : memref<80x144xf32, #tpu.memory_space<vmem>>, vector<1x16xf32>,
          %parallel_loop3A_236 = arith.index_cast %parallel_loop3A_186 : i32 to index
          %parallel_loop3A_237 = arith.constant 32 : index
          %parallel_loop3A_238 = tpu.vector_load %arg10[%parallel_loop3A_236, %parallel_loop3A_237] {strides = array<i32>} : memref<80x144xf32, #tpu.memory_space<vmem>>, vector<1x16xf32>,
          %parallel_loop3A_239 = vector.shape_cast %parallel_loop3A_238 : vector<1x16xf32> to vector<16xf32>
          %parallel_loop3A_240 = vector.extract_strided_slice %parallel_loop3A_204 {offsets = [2], sizes = [1], strides = [1]} : vector<16xf32> to vector<1xf32>
          %parallel_loop3A_241 = vector.extract %parallel_loop3A_240[0] : f32 from vector<1xf32>
          %parallel_loop3A_242 = vector.broadcast %parallel_loop3A_241 : f32 to vector<16xf32>
          %parallel_loop3A_243 = arith.mulf %parallel_loop3A_239, %parallel_loop3A_242 : vector<16xf32>
          %parallel_loop3A_244 = arith.index_cast %parallel_loop3A_186 : i32 to index
          %parallel_loop3A_245 = arith.constant 32 : index
          %parallel_loop3A_246 = tpu.vector_load %arg10[%parallel_loop3A_244, %parallel_loop3A_245] {strides = array<i32>} : memref<80x144xf32, #tpu.memory_space<vmem>>, vector<1x16xf32>,
          %parallel_loop3A_247 = vector.shape_cast %parallel_loop3A_246 : vector<1x16xf32> to vector<16xf32>
          %parallel_loop3A_248 = vector.shape_cast %parallel_loop3A_243 : vector<16xf32> to vector<1x16xf32>
          tpu.vector_store %arg10[%parallel_loop3A_244, %parallel_loop3A_245], %parallel_loop3A_248 {strides = array<i32>} : memref<80x144xf32, #tpu.memory_space<vmem>>, vector<1x16xf32>,
          %parallel_loop3A_249 = arith.index_cast %parallel_loop3A_186 : i32 to index
          %parallel_loop3A_250 = arith.constant 48 : index
          %parallel_loop3A_251 = tpu.vector_load %arg10[%parallel_loop3A_249, %parallel_loop3A_250] {strides = array<i32>} : memref<80x144xf32, #tpu.memory_space<vmem>>, vector<1x16xf32>,
          %parallel_loop3A_252 = vector.shape_cast %parallel_loop3A_251 : vector<1x16xf32> to vector<16xf32>
          %parallel_loop3A_253 = vector.extract_strided_slice %parallel_loop3A_204 {offsets = [3], sizes = [1], strides = [1]} : vector<16xf32> to vector<1xf32>
          %parallel_loop3A_254 = vector.extract %parallel_loop3A_253[0] : f32 from vector<1xf32>
          %parallel_loop3A_255 = vector.broadcast %parallel_loop3A_254 : f32 to vector<16xf32>
          %parallel_loop3A_256 = arith.mulf %parallel_loop3A_252, %parallel_loop3A_255 : vector<16xf32>
          %parallel_loop3A_257 = arith.index_cast %parallel_loop3A_186 : i32 to index
          %parallel_loop3A_258 = arith.constant 48 : index
          %parallel_loop3A_259 = tpu.vector_load %arg10[%parallel_loop3A_257, %parallel_loop3A_258] {strides = array<i32>} : memref<80x144xf32, #tpu.memory_space<vmem>>, vector<1x16xf32>,
          %parallel_loop3A_260 = vector.shape_cast %parallel_loop3A_259 : vector<1x16xf32> to vector<16xf32>
          %parallel_loop3A_261 = vector.shape_cast %parallel_loop3A_256 : vector<16xf32> to vector<1x16xf32>
          tpu.vector_store %arg10[%parallel_loop3A_257, %parallel_loop3A_258], %parallel_loop3A_261 {strides = array<i32>} : memref<80x144xf32, #tpu.memory_space<vmem>>, vector<1x16xf32>,
          %parallel_loop3A_262 = arith.index_cast %parallel_loop3A_186 : i32 to index
          %parallel_loop3A_263 = arith.constant 64 : index
          %parallel_loop3A_264 = tpu.vector_load %arg10[%parallel_loop3A_262, %parallel_loop3A_263] {strides = array<i32>} : memref<80x144xf32, #tpu.memory_space<vmem>>, vector<1x16xf32>,
          %parallel_loop3A_265 = vector.shape_cast %parallel_loop3A_264 : vector<1x16xf32> to vector<16xf32>
          %parallel_loop3A_266 = vector.extract_strided_slice %parallel_loop3A_204 {offsets = [4], sizes = [1], strides = [1]} : vector<16xf32> to vector<1xf32>
          %parallel_loop3A_267 = vector.extract %parallel_loop3A_266[0] : f32 from vector<1xf32>
          %parallel_loop3A_268 = vector.broadcast %parallel_loop3A_267 : f32 to vector<16xf32>
          %parallel_loop3A_269 = arith.mulf %parallel_loop3A_265, %parallel_loop3A_268 : vector<16xf32>
          %parallel_loop3A_270 = arith.index_cast %parallel_loop3A_186 : i32 to index
          %parallel_loop3A_271 = arith.constant 64 : index
          %parallel_loop3A_272 = tpu.vector_load %arg10[%parallel_loop3A_270, %parallel_loop3A_271] {strides = array<i32>} : memref<80x144xf32, #tpu.memory_space<vmem>>, vector<1x16xf32>,
          %parallel_loop3A_273 = vector.shape_cast %parallel_loop3A_272 : vector<1x16xf32> to vector<16xf32>
          %parallel_loop3A_274 = vector.shape_cast %parallel_loop3A_269 : vector<16xf32> to vector<1x16xf32>
          tpu.vector_store %arg10[%parallel_loop3A_270, %parallel_loop3A_271], %parallel_loop3A_274 {strides = array<i32>} : memref<80x144xf32, #tpu.memory_space<vmem>>, vector<1x16xf32>,
          %parallel_loop3A_275 = arith.index_cast %parallel_loop3A_186 : i32 to index
          %parallel_loop3A_276 = arith.constant 80 : index
          %parallel_loop3A_277 = tpu.vector_load %arg10[%parallel_loop3A_275, %parallel_loop3A_276] {strides = array<i32>} : memref<80x144xf32, #tpu.memory_space<vmem>>, vector<1x16xf32>,
          %parallel_loop3A_278 = vector.shape_cast %parallel_loop3A_277 : vector<1x16xf32> to vector<16xf32>
          %parallel_loop3A_279 = vector.extract_strided_slice %parallel_loop3A_204 {offsets = [5], sizes = [1], strides = [1]} : vector<16xf32> to vector<1xf32>
          %parallel_loop3A_280 = vector.extract %parallel_loop3A_279[0] : f32 from vector<1xf32>
          %parallel_loop3A_281 = vector.broadcast %parallel_loop3A_280 : f32 to vector<16xf32>
          %parallel_loop3A_282 = arith.mulf %parallel_loop3A_278, %parallel_loop3A_281 : vector<16xf32>
          %parallel_loop3A_283 = arith.index_cast %parallel_loop3A_186 : i32 to index
          %parallel_loop3A_284 = arith.constant 80 : index
          %parallel_loop3A_285 = tpu.vector_load %arg10[%parallel_loop3A_283, %parallel_loop3A_284] {strides = array<i32>} : memref<80x144xf32, #tpu.memory_space<vmem>>, vector<1x16xf32>,
          %parallel_loop3A_286 = vector.shape_cast %parallel_loop3A_285 : vector<1x16xf32> to vector<16xf32>
          %parallel_loop3A_287 = vector.shape_cast %parallel_loop3A_282 : vector<16xf32> to vector<1x16xf32>
          tpu.vector_store %arg10[%parallel_loop3A_283, %parallel_loop3A_284], %parallel_loop3A_287 {strides = array<i32>} : memref<80x144xf32, #tpu.memory_space<vmem>>, vector<1x16xf32>,
          %parallel_loop3A_288 = arith.index_cast %parallel_loop3A_186 : i32 to index
          %parallel_loop3A_289 = arith.constant 96 : index
          %parallel_loop3A_290 = tpu.vector_load %arg10[%parallel_loop3A_288, %parallel_loop3A_289] {strides = array<i32>} : memref<80x144xf32, #tpu.memory_space<vmem>>, vector<1x16xf32>,
          %parallel_loop3A_291 = vector.shape_cast %parallel_loop3A_290 : vector<1x16xf32> to vector<16xf32>
          %parallel_loop3A_292 = vector.extract_strided_slice %parallel_loop3A_204 {offsets = [6], sizes = [1], strides = [1]} : vector<16xf32> to vector<1xf32>
          %parallel_loop3A_293 = vector.extract %parallel_loop3A_292[0] : f32 from vector<1xf32>
          %parallel_loop3A_294 = vector.broadcast %parallel_loop3A_293 : f32 to vector<16xf32>
          %parallel_loop3A_295 = arith.mulf %parallel_loop3A_291, %parallel_loop3A_294 : vector<16xf32>
          %parallel_loop3A_296 = arith.index_cast %parallel_loop3A_186 : i32 to index
          %parallel_loop3A_297 = arith.constant 96 : index
          %parallel_loop3A_298 = tpu.vector_load %arg10[%parallel_loop3A_296, %parallel_loop3A_297] {strides = array<i32>} : memref<80x144xf32, #tpu.memory_space<vmem>>, vector<1x16xf32>,
          %parallel_loop3A_299 = vector.shape_cast %parallel_loop3A_298 : vector<1x16xf32> to vector<16xf32>
          %parallel_loop3A_300 = vector.shape_cast %parallel_loop3A_295 : vector<16xf32> to vector<1x16xf32>
          tpu.vector_store %arg10[%parallel_loop3A_296, %parallel_loop3A_297], %parallel_loop3A_300 {strides = array<i32>} : memref<80x144xf32, #tpu.memory_space<vmem>>, vector<1x16xf32>,
          %parallel_loop3A_301 = arith.index_cast %parallel_loop3A_186 : i32 to index
          %parallel_loop3A_302 = arith.constant 112 : index
          %parallel_loop3A_303 = tpu.vector_load %arg10[%parallel_loop3A_301, %parallel_loop3A_302] {strides = array<i32>} : memref<80x144xf32, #tpu.memory_space<vmem>>, vector<1x16xf32>,
          %parallel_loop3A_304 = vector.shape_cast %parallel_loop3A_303 : vector<1x16xf32> to vector<16xf32>
          %parallel_loop3A_305 = vector.extract_strided_slice %parallel_loop3A_204 {offsets = [7], sizes = [1], strides = [1]} : vector<16xf32> to vector<1xf32>
          %parallel_loop3A_306 = vector.extract %parallel_loop3A_305[0] : f32 from vector<1xf32>
          %parallel_loop3A_307 = vector.broadcast %parallel_loop3A_306 : f32 to vector<16xf32>
          %parallel_loop3A_308 = arith.mulf %parallel_loop3A_304, %parallel_loop3A_307 : vector<16xf32>
          %parallel_loop3A_309 = arith.index_cast %parallel_loop3A_186 : i32 to index
          %parallel_loop3A_310 = arith.constant 112 : index
          %parallel_loop3A_311 = tpu.vector_load %arg10[%parallel_loop3A_309, %parallel_loop3A_310] {strides = array<i32>} : memref<80x144xf32, #tpu.memory_space<vmem>>, vector<1x16xf32>,
          %parallel_loop3A_312 = vector.shape_cast %parallel_loop3A_311 : vector<1x16xf32> to vector<16xf32>
          %parallel_loop3A_313 = vector.shape_cast %parallel_loop3A_308 : vector<16xf32> to vector<1x16xf32>
          tpu.vector_store %arg10[%parallel_loop3A_309, %parallel_loop3A_310], %parallel_loop3A_313 {strides = array<i32>} : memref<80x144xf32, #tpu.memory_space<vmem>>, vector<1x16xf32>,
        } {sc.loop_unroll_factor = 4 : i64, sc.parallel_access}
        %dma_start3A_143 = arith.constant 0 : i32
        %dma_start3A_144 = tpu.memref_slice %arg16[%mul3A_116, %dma_start3A_143] : memref<32x80xi32, #tpu.memory_space<vmem>> -> memref<1x80xi32, #tpu.memory_space<vmem>>
        %dma_start3A_145 = tpu.memref_squeeze %dma_start3A_144 : memref<1x80xi32, #tpu.memory_space<vmem>> -> memref<80xi32, #tpu.memory_space<vmem>>
        %dma_start3A_146 = arith.constant 0 : i32
        %dma_start3A_147 = arith.constant 0 : i32
        %dma_start3A_148 = tpu.memref_slice %arg9[%dma_start3A_146, %dma_start3A_147] : memref<10240x144xf32, #tpu.memory_space<vmem_shared>> -> memref<10240x144xf32, #tpu.memory_space<vmem_shared>>
        tpu.enqueue_indirect_dma source(%arg10 : memref<80x144xf32, #tpu.memory_space<vmem>>) target(%dma_start3A_148 : memref<10240x144xf32, #tpu.memory_space<vmem_shared>>) offsets(%dma_start3A_145 : memref<80xi32, #tpu.memory_space<vmem>>) semaphore(%arg22 : memref<!tpu.dma_semaphore, #tpu.memory_space<semaphore_mem>>) {add = true}
        %mul3A_149 = arith.constant 2 : i32
        %mul3A_150 = arith.muli %mul3A_149, %scan3A_114 : i32
        %add3A_151 = arith.constant 1 : i32
        %add3A_152 = arith.addi %mul3A_150, %add3A_151 : i32
        %ge3A_153 = arith.constant 1 : i32
        %ge3A_154 = arith.cmpi sge, %add3A_152, %ge3A_153 : i32
        %convert_element_type3A_155 = arith.extui %ge3A_154 : i1 to i32
        %cond3A_156 = arith.constant 0 : i32
        %cond3A_157 = arith.cmpi ne, %convert_element_type3A_155, %cond3A_156 : i32
        scf.if %cond3A_157 {
          %dma_wait3A_186 = arith.constant 0 : i32
          %dma_wait3A_187 = tpu.memref_slice %arg16[%add3A_152, %dma_wait3A_186] : memref<32x80xi32, #tpu.memory_space<vmem>> -> memref<1x80xi32, #tpu.memory_space<vmem>>
          %dma_wait3A_188 = tpu.memref_squeeze %dma_wait3A_187 : memref<1x80xi32, #tpu.memory_space<vmem>> -> memref<80xi32, #tpu.memory_space<vmem>>
          %dma_wait3A_189 = arith.constant 0 : i32
          %dma_wait3A_190 = arith.constant 0 : i32
          %dma_wait3A_191 = tpu.memref_slice %arg9[%dma_wait3A_189, %dma_wait3A_190] : memref<10240x144xf32, #tpu.memory_space<vmem_shared>> -> memref<10240x144xf32, #tpu.memory_space<vmem_shared>>
          tpu.wait_indirect_dma semaphore(%arg22 : memref<!tpu.dma_semaphore, #tpu.memory_space<semaphore_mem>>) src(%arg10 : memref<80x144xf32, #tpu.memory_space<vmem>>) dst(%dma_wait3A_191 : memref<10240x144xf32, #tpu.memory_space<vmem_shared>>)
        } else {
        }
        %add3A_158 = arith.constant 1 : i32
        %add3A_159 = arith.addi %add3A_152, %add3A_158 : i32
        %lt3A_160 = arith.constant 32 : i32
        %lt3A_161 = arith.cmpi slt, %add3A_159, %lt3A_160 : i32
        %convert_element_type3A_162 = arith.extui %lt3A_161 : i1 to i32
        %cond3A_163 = arith.constant 0 : i32
        %cond3A_164 = arith.cmpi ne, %convert_element_type3A_162, %cond3A_163 : i32
        scf.if %cond3A_164 {
          %add3A_186 = arith.constant 1 : i32
          %add3A_187 = arith.addi %add3A_152, %add3A_186 : i32
          %dma_start3A_188 = arith.constant 0 : i32
          %dma_start3A_189 = tpu.memref_slice %arg14[%add3A_187, %dma_start3A_188] : memref<32x80xi32, #tpu.memory_space<vmem>> -> memref<1x80xi32, #tpu.memory_space<vmem>>
          %dma_start3A_190 = tpu.memref_squeeze %dma_start3A_189 : memref<1x80xi32, #tpu.memory_space<vmem>> -> memref<80xi32, #tpu.memory_space<vmem>>
          %dma_start3A_191 = arith.constant 0 : i32
          %dma_start3A_192 = arith.constant 0 : i32
          %dma_start3A_193 = tpu.memref_slice %arg2[%dma_start3A_191, %dma_start3A_192] : memref<20000x144xf32, #tpu.memory_space<hbm>> -> memref<20000x144xf32, #tpu.memory_space<hbm>>
          tpu.enqueue_indirect_dma source(%dma_start3A_193 : memref<20000x144xf32, #tpu.memory_space<hbm>>) target(%arg10 : memref<80x144xf32, #tpu.memory_space<vmem>>) offsets(%dma_start3A_190 : memref<80xi32, #tpu.memory_space<vmem>>) semaphore(%arg18 : memref<!tpu.dma_semaphore, #tpu.memory_space<semaphore_mem>>)
          %add3A_194 = arith.constant 1 : i32
          %add3A_195 = arith.addi %add3A_152, %add3A_194 : i32
          %dma_start3A_196 = arith.constant 0 : i32
          %dma_start3A_197 = tpu.memref_slice %arg15[%add3A_195, %dma_start3A_196] : memref<32x80xi32, #tpu.memory_space<vmem>> -> memref<1x80xi32, #tpu.memory_space<vmem>>
          %dma_start3A_198 = tpu.memref_squeeze %dma_start3A_197 : memref<1x80xi32, #tpu.memory_space<vmem>> -> memref<80xi32, #tpu.memory_space<vmem>>
          %dma_start3A_199 = arith.constant 0 : i32
          %dma_start3A_200 = arith.constant 0 : i32
          %dma_start3A_201 = tpu.memref_slice %arg3[%dma_start3A_199, %dma_start3A_200] : memref<20000x16xf32, #tpu.memory_space<hbm>> -> memref<20000x16xf32, #tpu.memory_space<hbm>>
          tpu.enqueue_indirect_dma source(%dma_start3A_201 : memref<20000x16xf32, #tpu.memory_space<hbm>>) target(%arg12 : memref<80x16xf32, #tpu.memory_space<vmem>>) offsets(%dma_start3A_198 : memref<80xi32, #tpu.memory_space<vmem>>) semaphore(%arg20 : memref<!tpu.dma_semaphore, #tpu.memory_space<semaphore_mem>>)
        } else {
        }
        %dma_wait3A_165 = arith.constant 0 : i32
        %dma_wait3A_166 = tpu.memref_slice %arg14[%add3A_152, %dma_wait3A_165] : memref<32x80xi32, #tpu.memory_space<vmem>> -> memref<1x80xi32, #tpu.memory_space<vmem>>
        %dma_wait3A_167 = tpu.memref_squeeze %dma_wait3A_166 : memref<1x80xi32, #tpu.memory_space<vmem>> -> memref<80xi32, #tpu.memory_space<vmem>>
        %dma_wait3A_168 = arith.constant 0 : i32
        %dma_wait3A_169 = arith.constant 0 : i32
        %dma_wait3A_170 = tpu.memref_slice %arg2[%dma_wait3A_168, %dma_wait3A_169] : memref<20000x144xf32, #tpu.memory_space<hbm>> -> memref<20000x144xf32, #tpu.memory_space<hbm>>
        tpu.wait_indirect_dma semaphore(%arg19 : memref<!tpu.dma_semaphore, #tpu.memory_space<semaphore_mem>>) src(%dma_wait3A_170 : memref<20000x144xf32, #tpu.memory_space<hbm>>) dst(%arg11 : memref<80x144xf32, #tpu.memory_space<vmem>>)
        %dma_wait3A_171 = arith.constant 0 : i32
        %dma_wait3A_172 = tpu.memref_slice %arg15[%add3A_152, %dma_wait3A_171] : memref<32x80xi32, #tpu.memory_space<vmem>> -> memref<1x80xi32, #tpu.memory_space<vmem>>
        %dma_wait3A_173 = tpu.memref_squeeze %dma_wait3A_172 : memref<1x80xi32, #tpu.memory_space<vmem>> -> memref<80xi32, #tpu.memory_space<vmem>>
        %dma_wait3A_174 = arith.constant 0 : i32
        %dma_wait3A_175 = arith.constant 0 : i32
        %dma_wait3A_176 = tpu.memref_slice %arg3[%dma_wait3A_174, %dma_wait3A_175] : memref<20000x16xf32, #tpu.memory_space<hbm>> -> memref<20000x16xf32, #tpu.memory_space<hbm>>
        tpu.wait_indirect_dma semaphore(%arg21 : memref<!tpu.dma_semaphore, #tpu.memory_space<semaphore_mem>>) src(%dma_wait3A_176 : memref<20000x16xf32, #tpu.memory_space<hbm>>) dst(%arg13 : memref<80x16xf32, #tpu.memory_space<vmem>>)
        %parallel_loop3A_177 = arith.constant 0 : i32
        %parallel_loop3A_178 = arith.constant 80 : i32
        %parallel_loop3A_179 = arith.constant 1 : i32
        scf.for %parallel_loop3A_186 = %parallel_loop3A_177 to %parallel_loop3A_178 step %parallel_loop3A_179  : i32 {
          %parallel_loop3A_187 = arith.index_cast %parallel_loop3A_186 : i32 to index
          %parallel_loop3A_188 = arith.constant 128 : index
          %parallel_loop3A_189 = tpu.vector_load %arg11[%parallel_loop3A_187, %parallel_loop3A_188] {strides = array<i32>} : memref<80x144xf32, #tpu.memory_space<vmem>>, vector<1x16xf32>,
          %parallel_loop3A_190 = vector.shape_cast %parallel_loop3A_189 : vector<1x16xf32> to vector<16xf32>
          %parallel_loop3A_191 = arith.index_cast %parallel_loop3A_186 : i32 to index
          %parallel_loop3A_192 = arith.constant 0 : index
          %parallel_loop3A_193 = tpu.vector_load %arg13[%parallel_loop3A_191, %parallel_loop3A_192] {strides = array<i32>} : memref<80x16xf32, #tpu.memory_space<vmem>>, vector<1x16xf32>,
          %parallel_loop3A_194 = vector.shape_cast %parallel_loop3A_193 : vector<1x16xf32> to vector<16xf32>
          %parallel_loop3A_195 = arith.addf %parallel_loop3A_190, %parallel_loop3A_194 : vector<16xf32>
          %parallel_loop3A_196 = arith.constant 2.000000e-01 : f32
          %parallel_loop3A_197 = vector.broadcast %parallel_loop3A_196 : f32 to vector<16xf32>
          %parallel_loop3A_198 = arith.mulf %parallel_loop3A_197, %parallel_loop3A_195 : vector<16xf32>
          %parallel_loop3A_199 = arith.maximumf %parallel_loop3A_195, %parallel_loop3A_198 : vector<16xf32>
          %parallel_loop3A_200 = arith.subf %parallel_loop3A_199, %get3A_38 : vector<16xf32>
          %parallel_loop3A_201 = math.exp %parallel_loop3A_200 : vector<16xf32>
          %parallel_loop3A_202 = arith.constant 0.000000e+00 : f32
          %parallel_loop3A_203 = vector.broadcast %parallel_loop3A_202 : f32 to vector<16xf32>
          %parallel_loop3A_204 = arith.select %lt3A_36, %parallel_loop3A_201, %parallel_loop3A_203 : vector<16xi1>, vector<16xf32>
          %parallel_loop3A_205 = arith.index_cast %parallel_loop3A_186 : i32 to index
          %parallel_loop3A_206 = arith.constant 128 : index
          %parallel_loop3A_207 = tpu.vector_load %arg11[%parallel_loop3A_205, %parallel_loop3A_206] {strides = array<i32>} : memref<80x144xf32, #tpu.memory_space<vmem>>, vector<1x16xf32>,
          %parallel_loop3A_208 = vector.shape_cast %parallel_loop3A_207 : vector<1x16xf32> to vector<16xf32>
          %parallel_loop3A_209 = vector.shape_cast %parallel_loop3A_204 : vector<16xf32> to vector<1x16xf32>
          tpu.vector_store %arg11[%parallel_loop3A_205, %parallel_loop3A_206], %parallel_loop3A_209 {strides = array<i32>} : memref<80x144xf32, #tpu.memory_space<vmem>>, vector<1x16xf32>,
          %parallel_loop3A_210 = arith.index_cast %parallel_loop3A_186 : i32 to index
          %parallel_loop3A_211 = arith.constant 0 : index
          %parallel_loop3A_212 = tpu.vector_load %arg11[%parallel_loop3A_210, %parallel_loop3A_211] {strides = array<i32>} : memref<80x144xf32, #tpu.memory_space<vmem>>, vector<1x16xf32>,
          %parallel_loop3A_213 = vector.shape_cast %parallel_loop3A_212 : vector<1x16xf32> to vector<16xf32>
          %parallel_loop3A_214 = vector.extract_strided_slice %parallel_loop3A_204 {offsets = [0], sizes = [1], strides = [1]} : vector<16xf32> to vector<1xf32>
          %parallel_loop3A_215 = vector.extract %parallel_loop3A_214[0] : f32 from vector<1xf32>
          %parallel_loop3A_216 = vector.broadcast %parallel_loop3A_215 : f32 to vector<16xf32>
          %parallel_loop3A_217 = arith.mulf %parallel_loop3A_213, %parallel_loop3A_216 : vector<16xf32>
          %parallel_loop3A_218 = arith.index_cast %parallel_loop3A_186 : i32 to index
          %parallel_loop3A_219 = arith.constant 0 : index
          %parallel_loop3A_220 = tpu.vector_load %arg11[%parallel_loop3A_218, %parallel_loop3A_219] {strides = array<i32>} : memref<80x144xf32, #tpu.memory_space<vmem>>, vector<1x16xf32>,
          %parallel_loop3A_221 = vector.shape_cast %parallel_loop3A_220 : vector<1x16xf32> to vector<16xf32>
          %parallel_loop3A_222 = vector.shape_cast %parallel_loop3A_217 : vector<16xf32> to vector<1x16xf32>
          tpu.vector_store %arg11[%parallel_loop3A_218, %parallel_loop3A_219], %parallel_loop3A_222 {strides = array<i32>} : memref<80x144xf32, #tpu.memory_space<vmem>>, vector<1x16xf32>,
          %parallel_loop3A_223 = arith.index_cast %parallel_loop3A_186 : i32 to index
          %parallel_loop3A_224 = arith.constant 16 : index
          %parallel_loop3A_225 = tpu.vector_load %arg11[%parallel_loop3A_223, %parallel_loop3A_224] {strides = array<i32>} : memref<80x144xf32, #tpu.memory_space<vmem>>, vector<1x16xf32>,
          %parallel_loop3A_226 = vector.shape_cast %parallel_loop3A_225 : vector<1x16xf32> to vector<16xf32>
          %parallel_loop3A_227 = vector.extract_strided_slice %parallel_loop3A_204 {offsets = [1], sizes = [1], strides = [1]} : vector<16xf32> to vector<1xf32>
          %parallel_loop3A_228 = vector.extract %parallel_loop3A_227[0] : f32 from vector<1xf32>
          %parallel_loop3A_229 = vector.broadcast %parallel_loop3A_228 : f32 to vector<16xf32>
          %parallel_loop3A_230 = arith.mulf %parallel_loop3A_226, %parallel_loop3A_229 : vector<16xf32>
          %parallel_loop3A_231 = arith.index_cast %parallel_loop3A_186 : i32 to index
          %parallel_loop3A_232 = arith.constant 16 : index
          %parallel_loop3A_233 = tpu.vector_load %arg11[%parallel_loop3A_231, %parallel_loop3A_232] {strides = array<i32>} : memref<80x144xf32, #tpu.memory_space<vmem>>, vector<1x16xf32>,
          %parallel_loop3A_234 = vector.shape_cast %parallel_loop3A_233 : vector<1x16xf32> to vector<16xf32>
          %parallel_loop3A_235 = vector.shape_cast %parallel_loop3A_230 : vector<16xf32> to vector<1x16xf32>
          tpu.vector_store %arg11[%parallel_loop3A_231, %parallel_loop3A_232], %parallel_loop3A_235 {strides = array<i32>} : memref<80x144xf32, #tpu.memory_space<vmem>>, vector<1x16xf32>,
          %parallel_loop3A_236 = arith.index_cast %parallel_loop3A_186 : i32 to index
          %parallel_loop3A_237 = arith.constant 32 : index
          %parallel_loop3A_238 = tpu.vector_load %arg11[%parallel_loop3A_236, %parallel_loop3A_237] {strides = array<i32>} : memref<80x144xf32, #tpu.memory_space<vmem>>, vector<1x16xf32>,
          %parallel_loop3A_239 = vector.shape_cast %parallel_loop3A_238 : vector<1x16xf32> to vector<16xf32>
          %parallel_loop3A_240 = vector.extract_strided_slice %parallel_loop3A_204 {offsets = [2], sizes = [1], strides = [1]} : vector<16xf32> to vector<1xf32>
          %parallel_loop3A_241 = vector.extract %parallel_loop3A_240[0] : f32 from vector<1xf32>
          %parallel_loop3A_242 = vector.broadcast %parallel_loop3A_241 : f32 to vector<16xf32>
          %parallel_loop3A_243 = arith.mulf %parallel_loop3A_239, %parallel_loop3A_242 : vector<16xf32>
          %parallel_loop3A_244 = arith.index_cast %parallel_loop3A_186 : i32 to index
          %parallel_loop3A_245 = arith.constant 32 : index
          %parallel_loop3A_246 = tpu.vector_load %arg11[%parallel_loop3A_244, %parallel_loop3A_245] {strides = array<i32>} : memref<80x144xf32, #tpu.memory_space<vmem>>, vector<1x16xf32>,
          %parallel_loop3A_247 = vector.shape_cast %parallel_loop3A_246 : vector<1x16xf32> to vector<16xf32>
          %parallel_loop3A_248 = vector.shape_cast %parallel_loop3A_243 : vector<16xf32> to vector<1x16xf32>
          tpu.vector_store %arg11[%parallel_loop3A_244, %parallel_loop3A_245], %parallel_loop3A_248 {strides = array<i32>} : memref<80x144xf32, #tpu.memory_space<vmem>>, vector<1x16xf32>,
          %parallel_loop3A_249 = arith.index_cast %parallel_loop3A_186 : i32 to index
          %parallel_loop3A_250 = arith.constant 48 : index
          %parallel_loop3A_251 = tpu.vector_load %arg11[%parallel_loop3A_249, %parallel_loop3A_250] {strides = array<i32>} : memref<80x144xf32, #tpu.memory_space<vmem>>, vector<1x16xf32>,
          %parallel_loop3A_252 = vector.shape_cast %parallel_loop3A_251 : vector<1x16xf32> to vector<16xf32>
          %parallel_loop3A_253 = vector.extract_strided_slice %parallel_loop3A_204 {offsets = [3], sizes = [1], strides = [1]} : vector<16xf32> to vector<1xf32>
          %parallel_loop3A_254 = vector.extract %parallel_loop3A_253[0] : f32 from vector<1xf32>
          %parallel_loop3A_255 = vector.broadcast %parallel_loop3A_254 : f32 to vector<16xf32>
          %parallel_loop3A_256 = arith.mulf %parallel_loop3A_252, %parallel_loop3A_255 : vector<16xf32>
          %parallel_loop3A_257 = arith.index_cast %parallel_loop3A_186 : i32 to index
          %parallel_loop3A_258 = arith.constant 48 : index
          %parallel_loop3A_259 = tpu.vector_load %arg11[%parallel_loop3A_257, %parallel_loop3A_258] {strides = array<i32>} : memref<80x144xf32, #tpu.memory_space<vmem>>, vector<1x16xf32>,
          %parallel_loop3A_260 = vector.shape_cast %parallel_loop3A_259 : vector<1x16xf32> to vector<16xf32>
          %parallel_loop3A_261 = vector.shape_cast %parallel_loop3A_256 : vector<16xf32> to vector<1x16xf32>
          tpu.vector_store %arg11[%parallel_loop3A_257, %parallel_loop3A_258], %parallel_loop3A_261 {strides = array<i32>} : memref<80x144xf32, #tpu.memory_space<vmem>>, vector<1x16xf32>,
          %parallel_loop3A_262 = arith.index_cast %parallel_loop3A_186 : i32 to index
          %parallel_loop3A_263 = arith.constant 64 : index
          %parallel_loop3A_264 = tpu.vector_load %arg11[%parallel_loop3A_262, %parallel_loop3A_263] {strides = array<i32>} : memref<80x144xf32, #tpu.memory_space<vmem>>, vector<1x16xf32>,
          %parallel_loop3A_265 = vector.shape_cast %parallel_loop3A_264 : vector<1x16xf32> to vector<16xf32>
          %parallel_loop3A_266 = vector.extract_strided_slice %parallel_loop3A_204 {offsets = [4], sizes = [1], strides = [1]} : vector<16xf32> to vector<1xf32>
          %parallel_loop3A_267 = vector.extract %parallel_loop3A_266[0] : f32 from vector<1xf32>
          %parallel_loop3A_268 = vector.broadcast %parallel_loop3A_267 : f32 to vector<16xf32>
          %parallel_loop3A_269 = arith.mulf %parallel_loop3A_265, %parallel_loop3A_268 : vector<16xf32>
          %parallel_loop3A_270 = arith.index_cast %parallel_loop3A_186 : i32 to index
          %parallel_loop3A_271 = arith.constant 64 : index
          %parallel_loop3A_272 = tpu.vector_load %arg11[%parallel_loop3A_270, %parallel_loop3A_271] {strides = array<i32>} : memref<80x144xf32, #tpu.memory_space<vmem>>, vector<1x16xf32>,
          %parallel_loop3A_273 = vector.shape_cast %parallel_loop3A_272 : vector<1x16xf32> to vector<16xf32>
          %parallel_loop3A_274 = vector.shape_cast %parallel_loop3A_269 : vector<16xf32> to vector<1x16xf32>
          tpu.vector_store %arg11[%parallel_loop3A_270, %parallel_loop3A_271], %parallel_loop3A_274 {strides = array<i32>} : memref<80x144xf32, #tpu.memory_space<vmem>>, vector<1x16xf32>,
          %parallel_loop3A_275 = arith.index_cast %parallel_loop3A_186 : i32 to index
          %parallel_loop3A_276 = arith.constant 80 : index
          %parallel_loop3A_277 = tpu.vector_load %arg11[%parallel_loop3A_275, %parallel_loop3A_276] {strides = array<i32>} : memref<80x144xf32, #tpu.memory_space<vmem>>, vector<1x16xf32>,
          %parallel_loop3A_278 = vector.shape_cast %parallel_loop3A_277 : vector<1x16xf32> to vector<16xf32>
          %parallel_loop3A_279 = vector.extract_strided_slice %parallel_loop3A_204 {offsets = [5], sizes = [1], strides = [1]} : vector<16xf32> to vector<1xf32>
          %parallel_loop3A_280 = vector.extract %parallel_loop3A_279[0] : f32 from vector<1xf32>
          %parallel_loop3A_281 = vector.broadcast %parallel_loop3A_280 : f32 to vector<16xf32>
          %parallel_loop3A_282 = arith.mulf %parallel_loop3A_278, %parallel_loop3A_281 : vector<16xf32>
          %parallel_loop3A_283 = arith.index_cast %parallel_loop3A_186 : i32 to index
          %parallel_loop3A_284 = arith.constant 80 : index
          %parallel_loop3A_285 = tpu.vector_load %arg11[%parallel_loop3A_283, %parallel_loop3A_284] {strides = array<i32>} : memref<80x144xf32, #tpu.memory_space<vmem>>, vector<1x16xf32>,
          %parallel_loop3A_286 = vector.shape_cast %parallel_loop3A_285 : vector<1x16xf32> to vector<16xf32>
          %parallel_loop3A_287 = vector.shape_cast %parallel_loop3A_282 : vector<16xf32> to vector<1x16xf32>
          tpu.vector_store %arg11[%parallel_loop3A_283, %parallel_loop3A_284], %parallel_loop3A_287 {strides = array<i32>} : memref<80x144xf32, #tpu.memory_space<vmem>>, vector<1x16xf32>,
          %parallel_loop3A_288 = arith.index_cast %parallel_loop3A_186 : i32 to index
          %parallel_loop3A_289 = arith.constant 96 : index
          %parallel_loop3A_290 = tpu.vector_load %arg11[%parallel_loop3A_288, %parallel_loop3A_289] {strides = array<i32>} : memref<80x144xf32, #tpu.memory_space<vmem>>, vector<1x16xf32>,
          %parallel_loop3A_291 = vector.shape_cast %parallel_loop3A_290 : vector<1x16xf32> to vector<16xf32>
          %parallel_loop3A_292 = vector.extract_strided_slice %parallel_loop3A_204 {offsets = [6], sizes = [1], strides = [1]} : vector<16xf32> to vector<1xf32>
          %parallel_loop3A_293 = vector.extract %parallel_loop3A_292[0] : f32 from vector<1xf32>
          %parallel_loop3A_294 = vector.broadcast %parallel_loop3A_293 : f32 to vector<16xf32>
          %parallel_loop3A_295 = arith.mulf %parallel_loop3A_291, %parallel_loop3A_294 : vector<16xf32>
          %parallel_loop3A_296 = arith.index_cast %parallel_loop3A_186 : i32 to index
          %parallel_loop3A_297 = arith.constant 96 : index
          %parallel_loop3A_298 = tpu.vector_load %arg11[%parallel_loop3A_296, %parallel_loop3A_297] {strides = array<i32>} : memref<80x144xf32, #tpu.memory_space<vmem>>, vector<1x16xf32>,
          %parallel_loop3A_299 = vector.shape_cast %parallel_loop3A_298 : vector<1x16xf32> to vector<16xf32>
          %parallel_loop3A_300 = vector.shape_cast %parallel_loop3A_295 : vector<16xf32> to vector<1x16xf32>
          tpu.vector_store %arg11[%parallel_loop3A_296, %parallel_loop3A_297], %parallel_loop3A_300 {strides = array<i32>} : memref<80x144xf32, #tpu.memory_space<vmem>>, vector<1x16xf32>,
          %parallel_loop3A_301 = arith.index_cast %parallel_loop3A_186 : i32 to index
          %parallel_loop3A_302 = arith.constant 112 : index
          %parallel_loop3A_303 = tpu.vector_load %arg11[%parallel_loop3A_301, %parallel_loop3A_302] {strides = array<i32>} : memref<80x144xf32, #tpu.memory_space<vmem>>, vector<1x16xf32>,
          %parallel_loop3A_304 = vector.shape_cast %parallel_loop3A_303 : vector<1x16xf32> to vector<16xf32>
          %parallel_loop3A_305 = vector.extract_strided_slice %parallel_loop3A_204 {offsets = [7], sizes = [1], strides = [1]} : vector<16xf32> to vector<1xf32>
          %parallel_loop3A_306 = vector.extract %parallel_loop3A_305[0] : f32 from vector<1xf32>
          %parallel_loop3A_307 = vector.broadcast %parallel_loop3A_306 : f32 to vector<16xf32>
          %parallel_loop3A_308 = arith.mulf %parallel_loop3A_304, %parallel_loop3A_307 : vector<16xf32>
          %parallel_loop3A_309 = arith.index_cast %parallel_loop3A_186 : i32 to index
          %parallel_loop3A_310 = arith.constant 112 : index
          %parallel_loop3A_311 = tpu.vector_load %arg11[%parallel_loop3A_309, %parallel_loop3A_310] {strides = array<i32>} : memref<80x144xf32, #tpu.memory_space<vmem>>, vector<1x16xf32>,
          %parallel_loop3A_312 = vector.shape_cast %parallel_loop3A_311 : vector<1x16xf32> to vector<16xf32>
          %parallel_loop3A_313 = vector.shape_cast %parallel_loop3A_308 : vector<16xf32> to vector<1x16xf32>
          tpu.vector_store %arg11[%parallel_loop3A_309, %parallel_loop3A_310], %parallel_loop3A_313 {strides = array<i32>} : memref<80x144xf32, #tpu.memory_space<vmem>>, vector<1x16xf32>,
        } {sc.loop_unroll_factor = 4 : i64, sc.parallel_access}
        %dma_start3A_180 = arith.constant 0 : i32
        %dma_start3A_181 = tpu.memref_slice %arg16[%add3A_152, %dma_start3A_180] : memref<32x80xi32, #tpu.memory_space<vmem>> -> memref<1x80xi32, #tpu.memory_space<vmem>>
        %dma_start3A_182 = tpu.memref_squeeze %dma_start3A_181 : memref<1x80xi32, #tpu.memory_space<vmem>> -> memref<80xi32, #tpu.memory_space<vmem>>
        %dma_start3A_183 = arith.constant 0 : i32
        %dma_start3A_184 = arith.constant 0 : i32
        %dma_start3A_185 = tpu.memref_slice %arg9[%dma_start3A_183, %dma_start3A_184] : memref<10240x144xf32, #tpu.memory_space<vmem_shared>> -> memref<10240x144xf32, #tpu.memory_space<vmem_shared>>
        tpu.enqueue_indirect_dma source(%arg11 : memref<80x144xf32, #tpu.memory_space<vmem>>) target(%dma_start3A_185 : memref<10240x144xf32, #tpu.memory_space<vmem_shared>>) offsets(%dma_start3A_182 : memref<80xi32, #tpu.memory_space<vmem>>) semaphore(%arg23 : memref<!tpu.dma_semaphore, #tpu.memory_space<semaphore_mem>>) {add = true}
      }
      %scan3A_113 = arith.constant 16 : i32
    }
    %scan3A_49 = arith.constant 8 : i32
    %dma_wait3A = arith.constant 0 : i32
    %dma_wait3A_50 = arith.constant 0 : i32
    %dma_wait3A_51 = tpu.memref_slice %arg16[%dma_wait3A, %dma_wait3A_50] : memref<32x80xi32, #tpu.memory_space<vmem>> -> memref<1x80xi32, #tpu.memory_space<vmem>>
    %dma_wait3A_52 = tpu.memref_squeeze %dma_wait3A_51 : memref<1x80xi32, #tpu.memory_space<vmem>> -> memref<80xi32, #tpu.memory_space<vmem>>
    %dma_wait3A_53 = arith.constant 0 : i32
    %dma_wait3A_54 = arith.constant 0 : i32
    %dma_wait3A_55 = tpu.memref_slice %arg9[%dma_wait3A_53, %dma_wait3A_54] : memref<10240x144xf32, #tpu.memory_space<vmem_shared>> -> memref<10240x144xf32, #tpu.memory_space<vmem_shared>>
    tpu.wait_indirect_dma semaphore(%arg23 : memref<!tpu.dma_semaphore, #tpu.memory_space<semaphore_mem>>) src(%arg11 : memref<80x144xf32, #tpu.memory_space<vmem>>) dst(%dma_wait3A_55 : memref<10240x144xf32, #tpu.memory_space<vmem_shared>>)
    %barrier3A_56 = arith.constant 0 : index
    tpu.barrier barrier_id(%barrier3A_56)
    %mul3A_57 = arith.constant 640 : i32
    %mul3A_58 = arith.muli %arg1, %mul3A_57 : i32
    %add3A_59 = arith.constant 0 : i32
    %add3A_60 = arith.addi %mul3A_58, %add3A_59 : i32
    "tpu.region"() ({
      %run_scoped3A = tpu.sem_alloc : memref<!tpu.dma_semaphore, #tpu.memory_space<semaphore_mem>>
      %dma_start3A = arith.constant 0 : i32
      %dma_start3A_89 = tpu.memref_slice %arg8[%arg0, %add3A_60, %dma_start3A] : memref<2x10240x144xf32, #tpu.memory_space<hbm>> -> memref<1x80x144xf32, #tpu.memory_space<hbm>>
      %dma_start3A_90 = tpu.memref_squeeze %dma_start3A_89 : memref<1x80x144xf32, #tpu.memory_space<hbm>> -> memref<80x144xf32, #tpu.memory_space<hbm>>
      %dma_start3A_91 = arith.constant 0 : i32
      %dma_start3A_92 = tpu.memref_slice %arg9[%add3A_60, %dma_start3A_91] : memref<10240x144xf32, #tpu.memory_space<vmem_shared>> -> memref<80x144xf32, #tpu.memory_space<vmem_shared>>
      tpu.enqueue_dma source(%dma_start3A_92 : memref<80x144xf32, #tpu.memory_space<vmem_shared>>) target(%dma_start3A_90 : memref<80x144xf32, #tpu.memory_space<hbm>>) target_semaphore(%run_scoped3A : memref<!tpu.dma_semaphore, #tpu.memory_space<semaphore_mem>>)
      %dma_wait3A_93 = arith.constant 0 : i32
      %dma_wait3A_94 = tpu.memref_slice %arg8[%arg0, %add3A_60, %dma_wait3A_93] : memref<2x10240x144xf32, #tpu.memory_space<hbm>> -> memref<1x80x144xf32, #tpu.memory_space<hbm>>
      %dma_wait3A_95 = tpu.memref_squeeze %dma_wait3A_94 : memref<1x80x144xf32, #tpu.memory_space<hbm>> -> memref<80x144xf32, #tpu.memory_space<hbm>>
      %dma_wait3A_96 = arith.constant 0 : i32
      %dma_wait3A_97 = tpu.memref_slice %arg9[%add3A_60, %dma_wait3A_96] : memref<10240x144xf32, #tpu.memory_space<vmem_shared>> -> memref<80x144xf32, #tpu.memory_space<vmem_shared>>
      tpu.wait_dma2 semaphore(%run_scoped3A : memref<!tpu.dma_semaphore, #tpu.memory_space<semaphore_mem>>) src(%dma_wait3A_97 : memref<80x144xf32, #tpu.memory_space<vmem_shared>>) dst(%dma_wait3A_95 : memref<80x144xf32, #tpu.memory_space<hbm>>)
      tpu.yield
    }) : () -> ()
    %mul3A_61 = arith.constant 640 : i32
    %mul3A_62 = arith.muli %arg1, %mul3A_61 : i32
    %add3A_63 = arith.constant 80 : i32
    %add3A_64 = arith.addi %mul3A_62, %add3A_63 : i32
    "tpu.region"() ({
      %run_scoped3A = tpu.sem_alloc : memref<!tpu.dma_semaphore, #tpu.memory_space<semaphore_mem>>
      %dma_start3A = arith.constant 0 : i32
      %dma_start3A_89 = tpu.memref_slice %arg8[%arg0, %add3A_64, %dma_start3A] : memref<2x10240x144xf32, #tpu.memory_space<hbm>> -> memref<1x80x144xf32, #tpu.memory_space<hbm>>
      %dma_start3A_90 = tpu.memref_squeeze %dma_start3A_89 : memref<1x80x144xf32, #tpu.memory_space<hbm>> -> memref<80x144xf32, #tpu.memory_space<hbm>>
      %dma_start3A_91 = arith.constant 0 : i32
      %dma_start3A_92 = tpu.memref_slice %arg9[%add3A_64, %dma_start3A_91] : memref<10240x144xf32, #tpu.memory_space<vmem_shared>> -> memref<80x144xf32, #tpu.memory_space<vmem_shared>>
      tpu.enqueue_dma source(%dma_start3A_92 : memref<80x144xf32, #tpu.memory_space<vmem_shared>>) target(%dma_start3A_90 : memref<80x144xf32, #tpu.memory_space<hbm>>) target_semaphore(%run_scoped3A : memref<!tpu.dma_semaphore, #tpu.memory_space<semaphore_mem>>)
      %dma_wait3A_93 = arith.constant 0 : i32
      %dma_wait3A_94 = tpu.memref_slice %arg8[%arg0, %add3A_64, %dma_wait3A_93] : memref<2x10240x144xf32, #tpu.memory_space<hbm>> -> memref<1x80x144xf32, #tpu.memory_space<hbm>>
      %dma_wait3A_95 = tpu.memref_squeeze %dma_wait3A_94 : memref<1x80x144xf32, #tpu.memory_space<hbm>> -> memref<80x144xf32, #tpu.memory_space<hbm>>
      %dma_wait3A_96 = arith.constant 0 : i32
      %dma_wait3A_97 = tpu.memref_slice %arg9[%add3A_64, %dma_wait3A_96] : memref<10240x144xf32, #tpu.memory_space<vmem_shared>> -> memref<80x144xf32, #tpu.memory_space<vmem_shared>>
      tpu.wait_dma2 semaphore(%run_scoped3A : memref<!tpu.dma_semaphore, #tpu.memory_space<semaphore_mem>>) src(%dma_wait3A_97 : memref<80x144xf32, #tpu.memory_space<vmem_shared>>) dst(%dma_wait3A_95 : memref<80x144xf32, #tpu.memory_space<hbm>>)
      tpu.yield
    }) : () -> ()
    %mul3A_65 = arith.constant 640 : i32
    %mul3A_66 = arith.muli %arg1, %mul3A_65 : i32
    %add3A_67 = arith.constant 160 : i32
    %add3A_68 = arith.addi %mul3A_66, %add3A_67 : i32
    "tpu.region"() ({
      %run_scoped3A = tpu.sem_alloc : memref<!tpu.dma_semaphore, #tpu.memory_space<semaphore_mem>>
      %dma_start3A = arith.constant 0 : i32
      %dma_start3A_89 = tpu.memref_slice %arg8[%arg0, %add3A_68, %dma_start3A] : memref<2x10240x144xf32, #tpu.memory_space<hbm>> -> memref<1x80x144xf32, #tpu.memory_space<hbm>>
      %dma_start3A_90 = tpu.memref_squeeze %dma_start3A_89 : memref<1x80x144xf32, #tpu.memory_space<hbm>> -> memref<80x144xf32, #tpu.memory_space<hbm>>
      %dma_start3A_91 = arith.constant 0 : i32
      %dma_start3A_92 = tpu.memref_slice %arg9[%add3A_68, %dma_start3A_91] : memref<10240x144xf32, #tpu.memory_space<vmem_shared>> -> memref<80x144xf32, #tpu.memory_space<vmem_shared>>
      tpu.enqueue_dma source(%dma_start3A_92 : memref<80x144xf32, #tpu.memory_space<vmem_shared>>) target(%dma_start3A_90 : memref<80x144xf32, #tpu.memory_space<hbm>>) target_semaphore(%run_scoped3A : memref<!tpu.dma_semaphore, #tpu.memory_space<semaphore_mem>>)
      %dma_wait3A_93 = arith.constant 0 : i32
      %dma_wait3A_94 = tpu.memref_slice %arg8[%arg0, %add3A_68, %dma_wait3A_93] : memref<2x10240x144xf32, #tpu.memory_space<hbm>> -> memref<1x80x144xf32, #tpu.memory_space<hbm>>
      %dma_wait3A_95 = tpu.memref_squeeze %dma_wait3A_94 : memref<1x80x144xf32, #tpu.memory_space<hbm>> -> memref<80x144xf32, #tpu.memory_space<hbm>>
      %dma_wait3A_96 = arith.constant 0 : i32
      %dma_wait3A_97 = tpu.memref_slice %arg9[%add3A_68, %dma_wait3A_96] : memref<10240x144xf32, #tpu.memory_space<vmem_shared>> -> memref<80x144xf32, #tpu.memory_space<vmem_shared>>
      tpu.wait_dma2 semaphore(%run_scoped3A : memref<!tpu.dma_semaphore, #tpu.memory_space<semaphore_mem>>) src(%dma_wait3A_97 : memref<80x144xf32, #tpu.memory_space<vmem_shared>>) dst(%dma_wait3A_95 : memref<80x144xf32, #tpu.memory_space<hbm>>)
      tpu.yield
    }) : () -> ()
    %mul3A_69 = arith.constant 640 : i32
    %mul3A_70 = arith.muli %arg1, %mul3A_69 : i32
    %add3A_71 = arith.constant 240 : i32
    %add3A_72 = arith.addi %mul3A_70, %add3A_71 : i32
    "tpu.region"() ({
      %run_scoped3A = tpu.sem_alloc : memref<!tpu.dma_semaphore, #tpu.memory_space<semaphore_mem>>
      %dma_start3A = arith.constant 0 : i32
      %dma_start3A_89 = tpu.memref_slice %arg8[%arg0, %add3A_72, %dma_start3A] : memref<2x10240x144xf32, #tpu.memory_space<hbm>> -> memref<1x80x144xf32, #tpu.memory_space<hbm>>
      %dma_start3A_90 = tpu.memref_squeeze %dma_start3A_89 : memref<1x80x144xf32, #tpu.memory_space<hbm>> -> memref<80x144xf32, #tpu.memory_space<hbm>>
      %dma_start3A_91 = arith.constant 0 : i32
      %dma_start3A_92 = tpu.memref_slice %arg9[%add3A_72, %dma_start3A_91] : memref<10240x144xf32, #tpu.memory_space<vmem_shared>> -> memref<80x144xf32, #tpu.memory_space<vmem_shared>>
      tpu.enqueue_dma source(%dma_start3A_92 : memref<80x144xf32, #tpu.memory_space<vmem_shared>>) target(%dma_start3A_90 : memref<80x144xf32, #tpu.memory_space<hbm>>) target_semaphore(%run_scoped3A : memref<!tpu.dma_semaphore, #tpu.memory_space<semaphore_mem>>)
      %dma_wait3A_93 = arith.constant 0 : i32
      %dma_wait3A_94 = tpu.memref_slice %arg8[%arg0, %add3A_72, %dma_wait3A_93] : memref<2x10240x144xf32, #tpu.memory_space<hbm>> -> memref<1x80x144xf32, #tpu.memory_space<hbm>>
      %dma_wait3A_95 = tpu.memref_squeeze %dma_wait3A_94 : memref<1x80x144xf32, #tpu.memory_space<hbm>> -> memref<80x144xf32, #tpu.memory_space<hbm>>
      %dma_wait3A_96 = arith.constant 0 : i32
      %dma_wait3A_97 = tpu.memref_slice %arg9[%add3A_72, %dma_wait3A_96] : memref<10240x144xf32, #tpu.memory_space<vmem_shared>> -> memref<80x144xf32, #tpu.memory_space<vmem_shared>>
      tpu.wait_dma2 semaphore(%run_scoped3A : memref<!tpu.dma_semaphore, #tpu.memory_space<semaphore_mem>>) src(%dma_wait3A_97 : memref<80x144xf32, #tpu.memory_space<vmem_shared>>) dst(%dma_wait3A_95 : memref<80x144xf32, #tpu.memory_space<hbm>>)
      tpu.yield
    }) : () -> ()
    %mul3A_73 = arith.constant 640 : i32
    %mul3A_74 = arith.muli %arg1, %mul3A_73 : i32
    %add3A_75 = arith.constant 320 : i32
    %add3A_76 = arith.addi %mul3A_74, %add3A_75 : i32
    "tpu.region"() ({
      %run_scoped3A = tpu.sem_alloc : memref<!tpu.dma_semaphore, #tpu.memory_space<semaphore_mem>>
      %dma_start3A = arith.constant 0 : i32
      %dma_start3A_89 = tpu.memref_slice %arg8[%arg0, %add3A_76, %dma_start3A] : memref<2x10240x144xf32, #tpu.memory_space<hbm>> -> memref<1x80x144xf32, #tpu.memory_space<hbm>>
      %dma_start3A_90 = tpu.memref_squeeze %dma_start3A_89 : memref<1x80x144xf32, #tpu.memory_space<hbm>> -> memref<80x144xf32, #tpu.memory_space<hbm>>
      %dma_start3A_91 = arith.constant 0 : i32
      %dma_start3A_92 = tpu.memref_slice %arg9[%add3A_76, %dma_start3A_91] : memref<10240x144xf32, #tpu.memory_space<vmem_shared>> -> memref<80x144xf32, #tpu.memory_space<vmem_shared>>
      tpu.enqueue_dma source(%dma_start3A_92 : memref<80x144xf32, #tpu.memory_space<vmem_shared>>) target(%dma_start3A_90 : memref<80x144xf32, #tpu.memory_space<hbm>>) target_semaphore(%run_scoped3A : memref<!tpu.dma_semaphore, #tpu.memory_space<semaphore_mem>>)
      %dma_wait3A_93 = arith.constant 0 : i32
      %dma_wait3A_94 = tpu.memref_slice %arg8[%arg0, %add3A_76, %dma_wait3A_93] : memref<2x10240x144xf32, #tpu.memory_space<hbm>> -> memref<1x80x144xf32, #tpu.memory_space<hbm>>
      %dma_wait3A_95 = tpu.memref_squeeze %dma_wait3A_94 : memref<1x80x144xf32, #tpu.memory_space<hbm>> -> memref<80x144xf32, #tpu.memory_space<hbm>>
      %dma_wait3A_96 = arith.constant 0 : i32
      %dma_wait3A_97 = tpu.memref_slice %arg9[%add3A_76, %dma_wait3A_96] : memref<10240x144xf32, #tpu.memory_space<vmem_shared>> -> memref<80x144xf32, #tpu.memory_space<vmem_shared>>
      tpu.wait_dma2 semaphore(%run_scoped3A : memref<!tpu.dma_semaphore, #tpu.memory_space<semaphore_mem>>) src(%dma_wait3A_97 : memref<80x144xf32, #tpu.memory_space<vmem_shared>>) dst(%dma_wait3A_95 : memref<80x144xf32, #tpu.memory_space<hbm>>)
      tpu.yield
    }) : () -> ()
    %mul3A_77 = arith.constant 640 : i32
    %mul3A_78 = arith.muli %arg1, %mul3A_77 : i32
    %add3A_79 = arith.constant 400 : i32
    %add3A_80 = arith.addi %mul3A_78, %add3A_79 : i32
    "tpu.region"() ({
      %run_scoped3A = tpu.sem_alloc : memref<!tpu.dma_semaphore, #tpu.memory_space<semaphore_mem>>
      %dma_start3A = arith.constant 0 : i32
      %dma_start3A_89 = tpu.memref_slice %arg8[%arg0, %add3A_80, %dma_start3A] : memref<2x10240x144xf32, #tpu.memory_space<hbm>> -> memref<1x80x144xf32, #tpu.memory_space<hbm>>
      %dma_start3A_90 = tpu.memref_squeeze %dma_start3A_89 : memref<1x80x144xf32, #tpu.memory_space<hbm>> -> memref<80x144xf32, #tpu.memory_space<hbm>>
      %dma_start3A_91 = arith.constant 0 : i32
      %dma_start3A_92 = tpu.memref_slice %arg9[%add3A_80, %dma_start3A_91] : memref<10240x144xf32, #tpu.memory_space<vmem_shared>> -> memref<80x144xf32, #tpu.memory_space<vmem_shared>>
      tpu.enqueue_dma source(%dma_start3A_92 : memref<80x144xf32, #tpu.memory_space<vmem_shared>>) target(%dma_start3A_90 : memref<80x144xf32, #tpu.memory_space<hbm>>) target_semaphore(%run_scoped3A : memref<!tpu.dma_semaphore, #tpu.memory_space<semaphore_mem>>)
      %dma_wait3A_93 = arith.constant 0 : i32
      %dma_wait3A_94 = tpu.memref_slice %arg8[%arg0, %add3A_80, %dma_wait3A_93] : memref<2x10240x144xf32, #tpu.memory_space<hbm>> -> memref<1x80x144xf32, #tpu.memory_space<hbm>>
      %dma_wait3A_95 = tpu.memref_squeeze %dma_wait3A_94 : memref<1x80x144xf32, #tpu.memory_space<hbm>> -> memref<80x144xf32, #tpu.memory_space<hbm>>
      %dma_wait3A_96 = arith.constant 0 : i32
      %dma_wait3A_97 = tpu.memref_slice %arg9[%add3A_80, %dma_wait3A_96] : memref<10240x144xf32, #tpu.memory_space<vmem_shared>> -> memref<80x144xf32, #tpu.memory_space<vmem_shared>>
      tpu.wait_dma2 semaphore(%run_scoped3A : memref<!tpu.dma_semaphore, #tpu.memory_space<semaphore_mem>>) src(%dma_wait3A_97 : memref<80x144xf32, #tpu.memory_space<vmem_shared>>) dst(%dma_wait3A_95 : memref<80x144xf32, #tpu.memory_space<hbm>>)
      tpu.yield
    }) : () -> ()
    %mul3A_81 = arith.constant 640 : i32
    %mul3A_82 = arith.muli %arg1, %mul3A_81 : i32
    %add3A_83 = arith.constant 480 : i32
    %add3A_84 = arith.addi %mul3A_82, %add3A_83 : i32
    "tpu.region"() ({
      %run_scoped3A = tpu.sem_alloc : memref<!tpu.dma_semaphore, #tpu.memory_space<semaphore_mem>>
      %dma_start3A = arith.constant 0 : i32
      %dma_start3A_89 = tpu.memref_slice %arg8[%arg0, %add3A_84, %dma_start3A] : memref<2x10240x144xf32, #tpu.memory_space<hbm>> -> memref<1x80x144xf32, #tpu.memory_space<hbm>>
      %dma_start3A_90 = tpu.memref_squeeze %dma_start3A_89 : memref<1x80x144xf32, #tpu.memory_space<hbm>> -> memref<80x144xf32, #tpu.memory_space<hbm>>
      %dma_start3A_91 = arith.constant 0 : i32
      %dma_start3A_92 = tpu.memref_slice %arg9[%add3A_84, %dma_start3A_91] : memref<10240x144xf32, #tpu.memory_space<vmem_shared>> -> memref<80x144xf32, #tpu.memory_space<vmem_shared>>
      tpu.enqueue_dma source(%dma_start3A_92 : memref<80x144xf32, #tpu.memory_space<vmem_shared>>) target(%dma_start3A_90 : memref<80x144xf32, #tpu.memory_space<hbm>>) target_semaphore(%run_scoped3A : memref<!tpu.dma_semaphore, #tpu.memory_space<semaphore_mem>>)
      %dma_wait3A_93 = arith.constant 0 : i32
      %dma_wait3A_94 = tpu.memref_slice %arg8[%arg0, %add3A_84, %dma_wait3A_93] : memref<2x10240x144xf32, #tpu.memory_space<hbm>> -> memref<1x80x144xf32, #tpu.memory_space<hbm>>
      %dma_wait3A_95 = tpu.memref_squeeze %dma_wait3A_94 : memref<1x80x144xf32, #tpu.memory_space<hbm>> -> memref<80x144xf32, #tpu.memory_space<hbm>>
      %dma_wait3A_96 = arith.constant 0 : i32
      %dma_wait3A_97 = tpu.memref_slice %arg9[%add3A_84, %dma_wait3A_96] : memref<10240x144xf32, #tpu.memory_space<vmem_shared>> -> memref<80x144xf32, #tpu.memory_space<vmem_shared>>
      tpu.wait_dma2 semaphore(%run_scoped3A : memref<!tpu.dma_semaphore, #tpu.memory_space<semaphore_mem>>) src(%dma_wait3A_97 : memref<80x144xf32, #tpu.memory_space<vmem_shared>>) dst(%dma_wait3A_95 : memref<80x144xf32, #tpu.memory_space<hbm>>)
      tpu.yield
    }) : () -> ()
    %mul3A_85 = arith.constant 640 : i32
    %mul3A_86 = arith.muli %arg1, %mul3A_85 : i32
    %add3A_87 = arith.constant 560 : i32
    %add3A_88 = arith.addi %mul3A_86, %add3A_87 : i32
    "tpu.region"() ({
      %run_scoped3A = tpu.sem_alloc : memref<!tpu.dma_semaphore, #tpu.memory_space<semaphore_mem>>
      %dma_start3A = arith.constant 0 : i32
      %dma_start3A_89 = tpu.memref_slice %arg8[%arg0, %add3A_88, %dma_start3A] : memref<2x10240x144xf32, #tpu.memory_space<hbm>> -> memref<1x80x144xf32, #tpu.memory_space<hbm>>
      %dma_start3A_90 = tpu.memref_squeeze %dma_start3A_89 : memref<1x80x144xf32, #tpu.memory_space<hbm>> -> memref<80x144xf32, #tpu.memory_space<hbm>>
      %dma_start3A_91 = arith.constant 0 : i32
      %dma_start3A_92 = tpu.memref_slice %arg9[%add3A_88, %dma_start3A_91] : memref<10240x144xf32, #tpu.memory_space<vmem_shared>> -> memref<80x144xf32, #tpu.memory_space<vmem_shared>>
      tpu.enqueue_dma source(%dma_start3A_92 : memref<80x144xf32, #tpu.memory_space<vmem_shared>>) target(%dma_start3A_90 : memref<80x144xf32, #tpu.memory_space<hbm>>) target_semaphore(%run_scoped3A : memref<!tpu.dma_semaphore, #tpu.memory_space<semaphore_mem>>)
      %dma_wait3A_93 = arith.constant 0 : i32
      %dma_wait3A_94 = tpu.memref_slice %arg8[%arg0, %add3A_88, %dma_wait3A_93] : memref<2x10240x144xf32, #tpu.memory_space<hbm>> -> memref<1x80x144xf32, #tpu.memory_space<hbm>>
      %dma_wait3A_95 = tpu.memref_squeeze %dma_wait3A_94 : memref<1x80x144xf32, #tpu.memory_space<hbm>> -> memref<80x144xf32, #tpu.memory_space<hbm>>
      %dma_wait3A_96 = arith.constant 0 : i32
      %dma_wait3A_97 = tpu.memref_slice %arg9[%add3A_88, %dma_wait3A_96] : memref<10240x144xf32, #tpu.memory_space<vmem_shared>> -> memref<80x144xf32, #tpu.memory_space<vmem_shared>>
      tpu.wait_dma2 semaphore(%run_scoped3A : memref<!tpu.dma_semaphore, #tpu.memory_space<semaphore_mem>>) src(%dma_wait3A_97 : memref<80x144xf32, #tpu.memory_space<vmem_shared>>) dst(%dma_wait3A_95 : memref<80x144xf32, #tpu.memory_space<hbm>>)
      tpu.yield
    }) : () -> ()
    return
  }
}

module attributes {stable_mosaic.version = 14 : i64} {
  func.func @_proj_pack_body(%arg0: i32, %arg1: memref<1000x128xf32, #tpu.memory_space<vmem>>, %arg2: memref<128x128xf32, #tpu.memory_space<vmem>>, %arg3: memref<1x128xf32, #tpu.memory_space<vmem>>, %arg4: memref<128x8xf32, #tpu.memory_space<vmem>>, %arg5: memref<1000x128xf32, #tpu.memory_space<vmem>>, %arg6: memref<1000x8xf32, #tpu.memory_space<vmem>>, %arg7: memref<1x8xf32, #tpu.memory_space<vmem>>) attributes {dimension_semantics = [#tpu.dimension_semantics<arbitrary>], iteration_bounds = array<i64: 10>, scalar_prefetch = 0 : i64, scratch_operands = 0 : i64, tpu.core_type = #tpu.core_type<tc>, window_params = [{transform_indices = @transform_0, window_bounds = array<i64: 1000, 128>}, {pipeline_mode = #tpu.pipeline_mode<synchronous>, transform_indices = @transform_1, window_bounds = array<i64: 128, 128>}, {pipeline_mode = #tpu.pipeline_mode<synchronous>, transform_indices = @transform_2, window_bounds = array<i64: 1, 128>}, {pipeline_mode = #tpu.pipeline_mode<synchronous>, transform_indices = @transform_3, window_bounds = array<i64: 128, 8>}, {transform_indices = @transform_4, window_bounds = array<i64: 1000, 128>}, {transform_indices = @transform_5, window_bounds = array<i64: 1000, 8>}, {pipeline_mode = #tpu.pipeline_mode<synchronous>, transform_indices = @transform_6, window_bounds = array<i64: 1, 8>}]} {
    %get3A = arith.constant 0 : index
    %get3A_0 = arith.constant 0 : index
    %get3A_1 = vector.load %arg1[%get3A, %get3A_0] : memref<1000x128xf32, #tpu.memory_space<vmem>>, vector<1000x128xf32>
    %get3A_2 = arith.constant 0 : index
    %get3A_3 = arith.constant 0 : index
    %get3A_4 = vector.load %arg2[%get3A_2, %get3A_3] : memref<128x128xf32, #tpu.memory_space<vmem>>, vector<128x128xf32>
    %dot_general3A = arith.constant dense<0.000000e+00> : vector<1000x128xf32>
    %dot_general3A_5 = tpu.matmul %get3A_1, %get3A_4, %dot_general3A {dimension_numbers = #tpu.dot_dimension_numbers<[1], [0], [0], [1], [0, 0, 1, 1], [], []>, transpose_lhs_hint = false} : vector<1000x128xf32>, vector<128x128xf32>, vector<1000x128xf32> -> vector<1000x128xf32>
    %get3A_6 = arith.constant 0 : index
    %get3A_7 = arith.constant 0 : index
    %get3A_8 = vector.load %arg3[%get3A_6, %get3A_7] : memref<1x128xf32, #tpu.memory_space<vmem>>, vector<1x128xf32>
    %add3A = vector.broadcast %get3A_8 : vector<1x128xf32> to vector<1000x128xf32>
    %add3A_9 = arith.addf %dot_general3A_5, %add3A : vector<1000x128xf32>
    %get3A_10 = arith.constant 0 : index
    %get3A_11 = arith.constant 0 : index
    %get3A_12 = vector.load %arg4[%get3A_10, %get3A_11] : memref<128x8xf32, #tpu.memory_space<vmem>>, vector<128x8xf32>
    %dot_general3A_13 = arith.constant dense<0.000000e+00> : vector<1000x8xf32>
    %dot_general3A_14 = tpu.matmul %add3A_9, %get3A_12, %dot_general3A_13 {dimension_numbers = #tpu.dot_dimension_numbers<[1], [0], [0], [1], [0, 0, 1, 1], [], []>, precision = #tpu.contract_precision<fp32>, transpose_lhs_hint = false} : vector<1000x128xf32>, vector<128x8xf32>, vector<1000x8xf32> -> vector<1000x8xf32>
    %swap3A = arith.constant 0 : index
    %swap3A_15 = arith.constant 0 : index
    %swap3A_16 = vector.load %arg5[%swap3A, %swap3A_15] : memref<1000x128xf32, #tpu.memory_space<vmem>>, vector<1000x128xf32>
    tpu.vector_store %arg5[%swap3A, %swap3A_15], %add3A_9 {strides = array<i32>} : memref<1000x128xf32, #tpu.memory_space<vmem>>, vector<1000x128xf32>,
    %swap3A_17 = arith.constant 0 : index
    %swap3A_18 = arith.constant 0 : index
    %swap3A_19 = vector.load %arg6[%swap3A_17, %swap3A_18] : memref<1000x8xf32, #tpu.memory_space<vmem>>, vector<1000x8xf32>
    tpu.vector_store %arg6[%swap3A_17, %swap3A_18], %dot_general3A_14 {strides = array<i32>} : memref<1000x8xf32, #tpu.memory_space<vmem>>, vector<1000x8xf32>,
    %eq3A = arith.constant 0 : i32
    %eq3A_20 = arith.cmpi eq, %arg0, %eq3A : i32
    %convert_element_type3A = arith.extui %eq3A_20 : i1 to i32
    %cond3A = arith.constant 0 : i32
    %cond3A_21 = arith.cmpi ne, %convert_element_type3A, %cond3A : i32
    scf.if %cond3A_21 {
      %broadcast_in_dim3A_29 = arith.constant -1.000000e+30 : f32
      %broadcast_in_dim3A_30 = vector.broadcast %broadcast_in_dim3A_29 : f32 to vector<1x8xf32>
      %swap3A_31 = arith.constant 0 : index
      %swap3A_32 = arith.constant 0 : index
      %swap3A_33 = vector.load %arg7[%swap3A_31, %swap3A_32] : memref<1x8xf32, #tpu.memory_space<vmem>>, vector<1x8xf32>
      tpu.vector_store %arg7[%swap3A_31, %swap3A_32], %broadcast_in_dim3A_30 {strides = array<i32>} : memref<1x8xf32, #tpu.memory_space<vmem>>, vector<1x8xf32>,
    } else {
    }
    %get3A_22 = arith.constant 0 : index
    %get3A_23 = arith.constant 0 : index
    %get3A_24 = vector.load %arg7[%get3A_22, %get3A_23] : memref<1x8xf32, #tpu.memory_space<vmem>>, vector<1x8xf32>
    %reduce_max3A = arith.constant dense<0xFF800000> : vector<8xf32>
    %reduce_max3A_25 = vector.multi_reduction <maximumf>, %dot_general3A_14, %reduce_max3A [0] : vector<1000x8xf32> to vector<8xf32>
    %broadcast_in_dim3A = vector.shape_cast %reduce_max3A_25 : vector<8xf32> to vector<1x8xf32>
    %max3A = arith.maximumf %get3A_24, %broadcast_in_dim3A : vector<1x8xf32>
    %swap3A_26 = arith.constant 0 : index
    %swap3A_27 = arith.constant 0 : index
    %swap3A_28 = vector.load %arg7[%swap3A_26, %swap3A_27] : memref<1x8xf32, #tpu.memory_space<vmem>>, vector<1x8xf32>
    tpu.vector_store %arg7[%swap3A_26, %swap3A_27], %max3A {strides = array<i32>} : memref<1x8xf32, #tpu.memory_space<vmem>>, vector<1x8xf32>,
    return
  }
  func.func @transform_0(%arg0: i32) -> (i32, i32) {
    %c0_i32 = arith.constant 0 : i32
    %c0_i32_0 = arith.constant 0 : i32
    return %arg0, %c0_i32 : i32, i32
  }
  func.func @transform_1(%arg0: i32) -> (i32, i32) {
    %c0_i32 = arith.constant 0 : i32
    %c0_i32_0 = arith.constant 0 : i32
    %c0_i32_1 = arith.constant 0 : i32
    return %c0_i32, %c0_i32_0 : i32, i32
  }
  func.func @transform_2(%arg0: i32) -> (i32, i32) {
    %c0_i32 = arith.constant 0 : i32
    %c0_i32_0 = arith.constant 0 : i32
    %c0_i32_1 = arith.constant 0 : i32
    return %c0_i32, %c0_i32_0 : i32, i32
  }
  func.func @transform_3(%arg0: i32) -> (i32, i32) {
    %c0_i32 = arith.constant 0 : i32
    %c0_i32_0 = arith.constant 0 : i32
    %c0_i32_1 = arith.constant 0 : i32
    return %c0_i32, %c0_i32_0 : i32, i32
  }
  func.func @transform_4(%arg0: i32) -> (i32, i32) {
    %c0_i32 = arith.constant 0 : i32
    %c0_i32_0 = arith.constant 0 : i32
    return %arg0, %c0_i32 : i32, i32
  }
  func.func @transform_5(%arg0: i32) -> (i32, i32) {
    %c0_i32 = arith.constant 0 : i32
    %c0_i32_0 = arith.constant 0 : i32
    return %arg0, %c0_i32 : i32, i32
  }
  func.func @transform_6(%arg0: i32) -> (i32, i32) {
    %c0_i32 = arith.constant 0 : i32
    %c0_i32_0 = arith.constant 0 : i32
    %c0_i32_1 = arith.constant 0 : i32
    return %c0_i32, %c0_i32_0 : i32, i32
  }
}

module attributes {stable_mosaic.version = 14 : i64} {
  func.func @_proj_ad_body(%arg0: i32, %arg1: memref<1000x128xf32, #tpu.memory_space<vmem>>, %arg2: memref<128x128xf32, #tpu.memory_space<vmem>>, %arg3: memref<1x128xf32, #tpu.memory_space<vmem>>, %arg4: memref<128x8xf32, #tpu.memory_space<vmem>>, %arg5: memref<128x8xf32, #tpu.memory_space<vmem>>, %arg6: memref<1000x8xf32, #tpu.memory_space<vmem>>, %arg7: memref<1000x8xf32, #tpu.memory_space<vmem>>, %arg8: memref<1x16xf32, #tpu.memory_space<vmem>>) attributes {dimension_semantics = [#tpu.dimension_semantics<arbitrary>], iteration_bounds = array<i64: 10>, scalar_prefetch = 0 : i64, scratch_operands = 0 : i64, tpu.core_type = #tpu.core_type<tc>, window_params = [{transform_indices = @transform_0, window_bounds = array<i64: 1000, 128>}, {pipeline_mode = #tpu.pipeline_mode<synchronous>, transform_indices = @transform_1, window_bounds = array<i64: 128, 128>}, {pipeline_mode = #tpu.pipeline_mode<synchronous>, transform_indices = @transform_2, window_bounds = array<i64: 1, 128>}, {pipeline_mode = #tpu.pipeline_mode<synchronous>, transform_indices = @transform_3, window_bounds = array<i64: 128, 8>}, {pipeline_mode = #tpu.pipeline_mode<synchronous>, transform_indices = @transform_4, window_bounds = array<i64: 128, 8>}, {transform_indices = @transform_5, window_bounds = array<i64: 1000, 8>}, {transform_indices = @transform_6, window_bounds = array<i64: 1000, 8>}, {pipeline_mode = #tpu.pipeline_mode<synchronous>, transform_indices = @transform_7, window_bounds = array<i64: 1, 16>}]} {
    %get3A = arith.constant 0 : index
    %get3A_0 = arith.constant 0 : index
    %get3A_1 = vector.load %arg1[%get3A, %get3A_0] : memref<1000x128xf32, #tpu.memory_space<vmem>>, vector<1000x128xf32>
    %get3A_2 = arith.constant 0 : index
    %get3A_3 = arith.constant 0 : index
    %get3A_4 = vector.load %arg2[%get3A_2, %get3A_3] : memref<128x128xf32, #tpu.memory_space<vmem>>, vector<128x128xf32>
    %dot_general3A = arith.constant dense<0.000000e+00> : vector<1000x128xf32>
    %dot_general3A_5 = tpu.matmul %get3A_1, %get3A_4, %dot_general3A {dimension_numbers = #tpu.dot_dimension_numbers<[1], [0], [0], [1], [0, 0, 1, 1], [], []>, transpose_lhs_hint = false} : vector<1000x128xf32>, vector<128x128xf32>, vector<1000x128xf32> -> vector<1000x128xf32>
    %get3A_6 = arith.constant 0 : index
    %get3A_7 = arith.constant 0 : index
    %get3A_8 = vector.load %arg3[%get3A_6, %get3A_7] : memref<1x128xf32, #tpu.memory_space<vmem>>, vector<1x128xf32>
    %add3A = vector.broadcast %get3A_8 : vector<1x128xf32> to vector<1000x128xf32>
    %add3A_9 = arith.addf %dot_general3A_5, %add3A : vector<1000x128xf32>
    %get3A_10 = arith.constant 0 : index
    %get3A_11 = arith.constant 0 : index
    %get3A_12 = vector.load %arg4[%get3A_10, %get3A_11] : memref<128x8xf32, #tpu.memory_space<vmem>>, vector<128x8xf32>
    %dot_general3A_13 = arith.constant dense<0.000000e+00> : vector<1000x8xf32>
    %dot_general3A_14 = tpu.matmul %add3A_9, %get3A_12, %dot_general3A_13 {dimension_numbers = #tpu.dot_dimension_numbers<[1], [0], [0], [1], [0, 0, 1, 1], [], []>, precision = #tpu.contract_precision<fp32>, transpose_lhs_hint = false} : vector<1000x128xf32>, vector<128x8xf32>, vector<1000x8xf32> -> vector<1000x8xf32>
    %get3A_15 = arith.constant 0 : index
    %get3A_16 = arith.constant 0 : index
    %get3A_17 = vector.load %arg5[%get3A_15, %get3A_16] : memref<128x8xf32, #tpu.memory_space<vmem>>, vector<128x8xf32>
    %dot_general3A_18 = arith.constant dense<0.000000e+00> : vector<1000x8xf32>
    %dot_general3A_19 = tpu.matmul %add3A_9, %get3A_17, %dot_general3A_18 {dimension_numbers = #tpu.dot_dimension_numbers<[1], [0], [0], [1], [0, 0, 1, 1], [], []>, precision = #tpu.contract_precision<fp32>, transpose_lhs_hint = false} : vector<1000x128xf32>, vector<128x8xf32>, vector<1000x8xf32> -> vector<1000x8xf32>
    %swap3A = arith.constant 0 : index
    %swap3A_20 = arith.constant 0 : index
    %swap3A_21 = vector.load %arg6[%swap3A, %swap3A_20] : memref<1000x8xf32, #tpu.memory_space<vmem>>, vector<1000x8xf32>
    tpu.vector_store %arg6[%swap3A, %swap3A_20], %dot_general3A_14 {strides = array<i32>} : memref<1000x8xf32, #tpu.memory_space<vmem>>, vector<1000x8xf32>,
    %swap3A_22 = arith.constant 0 : index
    %swap3A_23 = arith.constant 0 : index
    %swap3A_24 = vector.load %arg7[%swap3A_22, %swap3A_23] : memref<1000x8xf32, #tpu.memory_space<vmem>>, vector<1000x8xf32>
    tpu.vector_store %arg7[%swap3A_22, %swap3A_23], %dot_general3A_19 {strides = array<i32>} : memref<1000x8xf32, #tpu.memory_space<vmem>>, vector<1000x8xf32>,
    %eq3A = arith.constant 0 : i32
    %eq3A_25 = arith.cmpi eq, %arg0, %eq3A : i32
    %convert_element_type3A = arith.extui %eq3A_25 : i1 to i32
    %cond3A = arith.constant 0 : i32
    %cond3A_26 = arith.cmpi ne, %convert_element_type3A, %cond3A : i32
    scf.if %cond3A_26 {
      %broadcast_in_dim3A_37 = arith.constant -1.000000e+30 : f32
      %broadcast_in_dim3A_38 = vector.broadcast %broadcast_in_dim3A_37 : f32 to vector<1x16xf32>
      %swap3A_39 = arith.constant 0 : index
      %swap3A_40 = arith.constant 0 : index
      %swap3A_41 = vector.load %arg8[%swap3A_39, %swap3A_40] : memref<1x16xf32, #tpu.memory_space<vmem>>, vector<1x16xf32>
      tpu.vector_store %arg8[%swap3A_39, %swap3A_40], %broadcast_in_dim3A_38 {strides = array<i32>} : memref<1x16xf32, #tpu.memory_space<vmem>>, vector<1x16xf32>,
    } else {
    }
    %reduce_max3A = arith.constant dense<0xFF800000> : vector<8xf32>
    %reduce_max3A_27 = vector.multi_reduction <maximumf>, %dot_general3A_14, %reduce_max3A [0] : vector<1000x8xf32> to vector<8xf32>
    %broadcast_in_dim3A = vector.shape_cast %reduce_max3A_27 : vector<8xf32> to vector<1x8xf32>
    %reduce_max3A_28 = arith.constant dense<0xFF800000> : vector<8xf32>
    %reduce_max3A_29 = vector.multi_reduction <maximumf>, %dot_general3A_19, %reduce_max3A_28 [0] : vector<1000x8xf32> to vector<8xf32>
    %broadcast_in_dim3A_30 = vector.shape_cast %reduce_max3A_29 : vector<8xf32> to vector<1x8xf32>
    %concatenate3A = tpu.concatenate %broadcast_in_dim3A, %broadcast_in_dim3A_30 in 1 : vector<1x8xf32>, vector<1x8xf32> -> vector<1x16xf32>
    %get3A_31 = arith.constant 0 : index
    %get3A_32 = arith.constant 0 : index
    %get3A_33 = vector.load %arg8[%get3A_31, %get3A_32] : memref<1x16xf32, #tpu.memory_space<vmem>>, vector<1x16xf32>
    %max3A = arith.maximumf %get3A_33, %concatenate3A : vector<1x16xf32>
    %swap3A_34 = arith.constant 0 : index
    %swap3A_35 = arith.constant 0 : index
    %swap3A_36 = vector.load %arg8[%swap3A_34, %swap3A_35] : memref<1x16xf32, #tpu.memory_space<vmem>>, vector<1x16xf32>
    tpu.vector_store %arg8[%swap3A_34, %swap3A_35], %max3A {strides = array<i32>} : memref<1x16xf32, #tpu.memory_space<vmem>>, vector<1x16xf32>,
    return
  }
  func.func @transform_0(%arg0: i32) -> (i32, i32) {
    %c0_i32 = arith.constant 0 : i32
    %c0_i32_0 = arith.constant 0 : i32
    return %arg0, %c0_i32 : i32, i32
  }
  func.func @transform_1(%arg0: i32) -> (i32, i32) {
    %c0_i32 = arith.constant 0 : i32
    %c0_i32_0 = arith.constant 0 : i32
    %c0_i32_1 = arith.constant 0 : i32
    return %c0_i32, %c0_i32_0 : i32, i32
  }
  func.func @transform_2(%arg0: i32) -> (i32, i32) {
    %c0_i32 = arith.constant 0 : i32
    %c0_i32_0 = arith.constant 0 : i32
    %c0_i32_1 = arith.constant 0 : i32
    return %c0_i32, %c0_i32_0 : i32, i32
  }
  func.func @transform_3(%arg0: i32) -> (i32, i32) {
    %c0_i32 = arith.constant 0 : i32
    %c0_i32_0 = arith.constant 0 : i32
    %c0_i32_1 = arith.constant 0 : i32
    return %c0_i32, %c0_i32_0 : i32, i32
  }
  func.func @transform_4(%arg0: i32) -> (i32, i32) {
    %c0_i32 = arith.constant 0 : i32
    %c0_i32_0 = arith.constant 0 : i32
    %c0_i32_1 = arith.constant 0 : i32
    return %c0_i32, %c0_i32_0 : i32, i32
  }
  func.func @transform_5(%arg0: i32) -> (i32, i32) {
    %c0_i32 = arith.constant 0 : i32
    %c0_i32_0 = arith.constant 0 : i32
    return %arg0, %c0_i32 : i32, i32
  }
  func.func @transform_6(%arg0: i32) -> (i32, i32) {
    %c0_i32 = arith.constant 0 : i32
    %c0_i32_0 = arith.constant 0 : i32
    return %arg0, %c0_i32 : i32, i32
  }
  func.func @transform_7(%arg0: i32) -> (i32, i32) {
    %c0_i32 = arith.constant 0 : i32
    %c0_i32_0 = arith.constant 0 : i32
    %c0_i32_1 = arith.constant 0 : i32
    return %c0_i32, %c0_i32_0 : i32, i32
  }
}

module attributes {stable_mosaic.version = 14 : i64} {
  func.func @_post_body(%arg0: i32, %arg1: memref<1x1000x144xf32, #tpu.memory_space<vmem>>, %arg2: memref<1x1000x144xf32, #tpu.memory_space<vmem>>, %arg3: memref<128x128xf32, #tpu.memory_space<vmem>>, %arg4: memref<1x128xf32, #tpu.memory_space<vmem>>, %arg5: memref<1x128xf32, #tpu.memory_space<vmem>>, %arg6: memref<1000x128xf32, #tpu.memory_space<vmem>>, %arg7: memref<1000x128xf32, #tpu.memory_space<vmem>>, %arg8: memref<2x128xf32, #tpu.memory_space<vmem>>, %arg9: memref<1x128xf32, #tpu.memory_space<vmem>>, %arg10: memref<1x128xf32, #tpu.memory_space<vmem>>) attributes {dimension_semantics = [#tpu.dimension_semantics<arbitrary>], iteration_bounds = array<i64: 10>, scalar_prefetch = 0 : i64, scratch_operands = 2 : i64, tpu.core_type = #tpu.core_type<tc>, window_params = [{transform_indices = @transform_0, window_bounds = array<i64: 1, 1000, 144>}, {transform_indices = @transform_1, window_bounds = array<i64: 1, 1000, 144>}, {pipeline_mode = #tpu.pipeline_mode<synchronous>, transform_indices = @transform_2, window_bounds = array<i64: 128, 128>}, {pipeline_mode = #tpu.pipeline_mode<synchronous>, transform_indices = @transform_3, window_bounds = array<i64: 1, 128>}, {pipeline_mode = #tpu.pipeline_mode<synchronous>, transform_indices = @transform_4, window_bounds = array<i64: 1, 128>}, {transform_indices = @transform_5, window_bounds = array<i64: 1000, 128>}, {transform_indices = @transform_6, window_bounds = array<i64: 1000, 128>}, {pipeline_mode = #tpu.pipeline_mode<synchronous>, transform_indices = @transform_7, window_bounds = array<i64: 2, 128>}]} {
    %eq3A = arith.constant 0 : i32
    %eq3A_0 = arith.cmpi eq, %arg0, %eq3A : i32
    %convert_element_type3A = arith.extui %eq3A_0 : i1 to i32
    %cond3A = arith.constant 0 : i32
    %cond3A_1 = arith.cmpi ne, %convert_element_type3A, %cond3A : i32
    scf.if %cond3A_1 {
      %broadcast_in_dim3A_106 = arith.constant 0.000000e+00 : f32
      %broadcast_in_dim3A_107 = vector.broadcast %broadcast_in_dim3A_106 : f32 to vector<1x128xf32>
      %swap3A_108 = arith.constant 0 : index
      %swap3A_109 = arith.constant 0 : index
      %swap3A_110 = vector.load %arg9[%swap3A_108, %swap3A_109] : memref<1x128xf32, #tpu.memory_space<vmem>>, vector<1x128xf32>
      tpu.vector_store %arg9[%swap3A_108, %swap3A_109], %broadcast_in_dim3A_107 {strides = array<i32>} : memref<1x128xf32, #tpu.memory_space<vmem>>, vector<1x128xf32>,
      %broadcast_in_dim3A_111 = arith.constant 0.000000e+00 : f32
      %broadcast_in_dim3A_112 = vector.broadcast %broadcast_in_dim3A_111 : f32 to vector<1x128xf32>
      %swap3A_113 = arith.constant 0 : index
      %swap3A_114 = arith.constant 0 : index
      %swap3A_115 = vector.load %arg10[%swap3A_113, %swap3A_114] : memref<1x128xf32, #tpu.memory_space<vmem>>, vector<1x128xf32>
      tpu.vector_store %arg10[%swap3A_113, %swap3A_114], %broadcast_in_dim3A_112 {strides = array<i32>} : memref<1x128xf32, #tpu.memory_space<vmem>>, vector<1x128xf32>,
    } else {
    }
    %get3A = arith.constant 0 : index
    %get3A_2 = arith.constant 0 : index
    %get3A_3 = arith.constant 0 : index
    %get3A_4 = vector.load %arg1[%get3A, %get3A_2, %get3A_3] : memref<1x1000x144xf32, #tpu.memory_space<vmem>>, vector<1x1000x144xf32>
    %get3A_5 = vector.shape_cast %get3A_4 : vector<1x1000x144xf32> to vector<1000x144xf32>
    %slice3A = vector.extract_strided_slice %get3A_5 {offsets = [0, 0], sizes = [1000, 128], strides = [1, 1]} : vector<1000x144xf32> to vector<1000x128xf32>
    %slice3A_6 = vector.extract_strided_slice %get3A_5 {offsets = [0, 128], sizes = [1000, 8], strides = [1, 1]} : vector<1000x144xf32> to vector<1000x8xf32>
    %reshape3A = vector.shape_cast %slice3A_6 : vector<1000x8xf32> to vector<1000x8x1xf32>
    %broadcast_in_dim3A = vector.shape_cast %reshape3A : vector<1000x8x1xf32> to vector<1000x8x1xf32>
    %broadcast_in_dim3A_7 = vector.broadcast %broadcast_in_dim3A : vector<1000x8x1xf32> to vector<1000x8x16xf32>
    %reshape3A_8 = vector.shape_cast %broadcast_in_dim3A_7 : vector<1000x8x16xf32> to vector<1000x128xf32>
    %add3A = arith.constant 1.000000e-16 : f32
    %add3A_9 = vector.broadcast %add3A : f32 to vector<1000x128xf32>
    %add3A_10 = arith.addf %reshape3A_8, %add3A_9 : vector<1000x128xf32>
    %div3A = arith.divf %slice3A, %add3A_10 : vector<1000x128xf32>
    %max3A = arith.constant 0.000000e+00 : f32
    %max3A_11 = vector.broadcast %max3A : f32 to vector<1000x128xf32>
    %max3A_12 = arith.maximumf %div3A, %max3A_11 : vector<1000x128xf32>
    %swap3A = arith.constant 0 : index
    %swap3A_13 = arith.constant 0 : index
    %swap3A_14 = vector.load %arg6[%swap3A, %swap3A_13] : memref<1000x128xf32, #tpu.memory_space<vmem>>, vector<1000x128xf32>
    tpu.vector_store %arg6[%swap3A, %swap3A_13], %max3A_12 {strides = array<i32>} : memref<1000x128xf32, #tpu.memory_space<vmem>>, vector<1000x128xf32>,
    %get3A_15 = arith.constant 0 : index
    %get3A_16 = arith.constant 0 : index
    %get3A_17 = vector.load %arg3[%get3A_15, %get3A_16] : memref<128x128xf32, #tpu.memory_space<vmem>>, vector<128x128xf32>
    %dot_general3A = arith.constant dense<0.000000e+00> : vector<1000x128xf32>
    %dot_general3A_18 = tpu.matmul %max3A_12, %get3A_17, %dot_general3A {dimension_numbers = #tpu.dot_dimension_numbers<[1], [0], [0], [1], [0, 0, 1, 1], [], []>, transpose_lhs_hint = false} : vector<1000x128xf32>, vector<128x128xf32>, vector<1000x128xf32> -> vector<1000x128xf32>
    %get3A_19 = arith.constant 0 : index
    %get3A_20 = arith.constant 0 : index
    %get3A_21 = vector.load %arg4[%get3A_19, %get3A_20] : memref<1x128xf32, #tpu.memory_space<vmem>>, vector<1x128xf32>
    %add3A_22 = vector.broadcast %get3A_21 : vector<1x128xf32> to vector<1000x128xf32>
    %add3A_23 = arith.addf %dot_general3A_18, %add3A_22 : vector<1000x128xf32>
    %tanh3A = math.tanh %add3A_23 : vector<1000x128xf32>
    %get3A_24 = arith.constant 0 : index
    %get3A_25 = arith.constant 0 : index
    %get3A_26 = vector.load %arg9[%get3A_24, %get3A_25] : memref<1x128xf32, #tpu.memory_space<vmem>>, vector<1x128xf32>
    %reduce_sum3A = arith.constant dense<0.000000e+00> : vector<128xf32>
    %reduce_sum3A_27 = vector.multi_reduction <add>, %tanh3A, %reduce_sum3A [0] : vector<1000x128xf32> to vector<128xf32>
    %broadcast_in_dim3A_28 = vector.shape_cast %reduce_sum3A_27 : vector<128xf32> to vector<1x128xf32>
    %add3A_29 = arith.addf %get3A_26, %broadcast_in_dim3A_28 : vector<1x128xf32>
    %swap3A_30 = arith.constant 0 : index
    %swap3A_31 = arith.constant 0 : index
    %swap3A_32 = vector.load %arg9[%swap3A_30, %swap3A_31] : memref<1x128xf32, #tpu.memory_space<vmem>>, vector<1x128xf32>
    tpu.vector_store %arg9[%swap3A_30, %swap3A_31], %add3A_29 {strides = array<i32>} : memref<1x128xf32, #tpu.memory_space<vmem>>, vector<1x128xf32>,
    %get3A_33 = arith.constant 0 : index
    %get3A_34 = arith.constant 0 : index
    %get3A_35 = arith.constant 0 : index
    %get3A_36 = vector.load %arg2[%get3A_33, %get3A_34, %get3A_35] : memref<1x1000x144xf32, #tpu.memory_space<vmem>>, vector<1x1000x144xf32>
    %get3A_37 = vector.shape_cast %get3A_36 : vector<1x1000x144xf32> to vector<1000x144xf32>
    %slice3A_38 = vector.extract_strided_slice %get3A_37 {offsets = [0, 0], sizes = [1000, 128], strides = [1, 1]} : vector<1000x144xf32> to vector<1000x128xf32>
    %slice3A_39 = vector.extract_strided_slice %get3A_37 {offsets = [0, 128], sizes = [1000, 8], strides = [1, 1]} : vector<1000x144xf32> to vector<1000x8xf32>
    %reshape3A_40 = vector.shape_cast %slice3A_39 : vector<1000x8xf32> to vector<1000x8x1xf32>
    %broadcast_in_dim3A_41 = vector.shape_cast %reshape3A_40 : vector<1000x8x1xf32> to vector<1000x8x1xf32>
    %broadcast_in_dim3A_42 = vector.broadcast %broadcast_in_dim3A_41 : vector<1000x8x1xf32> to vector<1000x8x16xf32>
    %reshape3A_43 = vector.shape_cast %broadcast_in_dim3A_42 : vector<1000x8x16xf32> to vector<1000x128xf32>
    %add3A_44 = arith.constant 1.000000e-16 : f32
    %add3A_45 = vector.broadcast %add3A_44 : f32 to vector<1000x128xf32>
    %add3A_46 = arith.addf %reshape3A_43, %add3A_45 : vector<1000x128xf32>
    %div3A_47 = arith.divf %slice3A_38, %add3A_46 : vector<1000x128xf32>
    %max3A_48 = arith.constant 0.000000e+00 : f32
    %max3A_49 = vector.broadcast %max3A_48 : f32 to vector<1000x128xf32>
    %max3A_50 = arith.maximumf %div3A_47, %max3A_49 : vector<1000x128xf32>
    %swap3A_51 = arith.constant 0 : index
    %swap3A_52 = arith.constant 0 : index
    %swap3A_53 = vector.load %arg7[%swap3A_51, %swap3A_52] : memref<1000x128xf32, #tpu.memory_space<vmem>>, vector<1000x128xf32>
    tpu.vector_store %arg7[%swap3A_51, %swap3A_52], %max3A_50 {strides = array<i32>} : memref<1000x128xf32, #tpu.memory_space<vmem>>, vector<1000x128xf32>,
    %get3A_54 = arith.constant 0 : index
    %get3A_55 = arith.constant 0 : index
    %get3A_56 = vector.load %arg3[%get3A_54, %get3A_55] : memref<128x128xf32, #tpu.memory_space<vmem>>, vector<128x128xf32>
    %dot_general3A_57 = arith.constant dense<0.000000e+00> : vector<1000x128xf32>
    %dot_general3A_58 = tpu.matmul %max3A_50, %get3A_56, %dot_general3A_57 {dimension_numbers = #tpu.dot_dimension_numbers<[1], [0], [0], [1], [0, 0, 1, 1], [], []>, transpose_lhs_hint = false} : vector<1000x128xf32>, vector<128x128xf32>, vector<1000x128xf32> -> vector<1000x128xf32>
    %get3A_59 = arith.constant 0 : index
    %get3A_60 = arith.constant 0 : index
    %get3A_61 = vector.load %arg4[%get3A_59, %get3A_60] : memref<1x128xf32, #tpu.memory_space<vmem>>, vector<1x128xf32>
    %add3A_62 = vector.broadcast %get3A_61 : vector<1x128xf32> to vector<1000x128xf32>
    %add3A_63 = arith.addf %dot_general3A_58, %add3A_62 : vector<1000x128xf32>
    %tanh3A_64 = math.tanh %add3A_63 : vector<1000x128xf32>
    %get3A_65 = arith.constant 0 : index
    %get3A_66 = arith.constant 0 : index
    %get3A_67 = vector.load %arg10[%get3A_65, %get3A_66] : memref<1x128xf32, #tpu.memory_space<vmem>>, vector<1x128xf32>
    %reduce_sum3A_68 = arith.constant dense<0.000000e+00> : vector<128xf32>
    %reduce_sum3A_69 = vector.multi_reduction <add>, %tanh3A_64, %reduce_sum3A_68 [0] : vector<1000x128xf32> to vector<128xf32>
    %broadcast_in_dim3A_70 = vector.shape_cast %reduce_sum3A_69 : vector<128xf32> to vector<1x128xf32>
    %add3A_71 = arith.addf %get3A_67, %broadcast_in_dim3A_70 : vector<1x128xf32>
    %swap3A_72 = arith.constant 0 : index
    %swap3A_73 = arith.constant 0 : index
    %swap3A_74 = vector.load %arg10[%swap3A_72, %swap3A_73] : memref<1x128xf32, #tpu.memory_space<vmem>>, vector<1x128xf32>
    tpu.vector_store %arg10[%swap3A_72, %swap3A_73], %add3A_71 {strides = array<i32>} : memref<1x128xf32, #tpu.memory_space<vmem>>, vector<1x128xf32>,
    %get3A_75 = arith.constant 0 : index
    %get3A_76 = arith.constant 0 : index
    %get3A_77 = vector.load %arg4[%get3A_75, %get3A_76] : memref<1x128xf32, #tpu.memory_space<vmem>>, vector<1x128xf32>
    %tanh3A_78 = math.tanh %get3A_77 : vector<1x128xf32>
    %mul3A = arith.constant 4.000000e+04 : f32
    %mul3A_79 = vector.broadcast %mul3A : f32 to vector<1x128xf32>
    %mul3A_80 = arith.mulf %mul3A_79, %tanh3A_78 : vector<1x128xf32>
    %get3A_81 = arith.constant 0 : index
    %get3A_82 = arith.constant 0 : index
    %get3A_83 = vector.load %arg5[%get3A_81, %get3A_82] : memref<1x128xf32, #tpu.memory_space<vmem>>, vector<1x128xf32>
    %get3A_84 = arith.constant 0 : index
    %get3A_85 = arith.constant 0 : index
    %get3A_86 = vector.load %arg9[%get3A_84, %get3A_85] : memref<1x128xf32, #tpu.memory_space<vmem>>, vector<1x128xf32>
    %add3A_87 = arith.addf %get3A_86, %mul3A_80 : vector<1x128xf32>
    %mul3A_88 = arith.mulf %get3A_83, %add3A_87 : vector<1x128xf32>
    %mul3A_89 = arith.constant 2.000000e-05 : f32
    %mul3A_90 = vector.broadcast %mul3A_89 : f32 to vector<1x128xf32>
    %mul3A_91 = arith.mulf %mul3A_88, %mul3A_90 : vector<1x128xf32>
    %get3A_92 = arith.constant 0 : index
    %get3A_93 = arith.constant 0 : index
    %get3A_94 = vector.load %arg5[%get3A_92, %get3A_93] : memref<1x128xf32, #tpu.memory_space<vmem>>, vector<1x128xf32>
    %get3A_95 = arith.constant 0 : index
    %get3A_96 = arith.constant 0 : index
    %get3A_97 = vector.load %arg10[%get3A_95, %get3A_96] : memref<1x128xf32, #tpu.memory_space<vmem>>, vector<1x128xf32>
    %add3A_98 = arith.addf %get3A_97, %mul3A_80 : vector<1x128xf32>
    %mul3A_99 = arith.mulf %get3A_94, %add3A_98 : vector<1x128xf32>
    %mul3A_100 = arith.constant 2.000000e-05 : f32
    %mul3A_101 = vector.broadcast %mul3A_100 : f32 to vector<1x128xf32>
    %mul3A_102 = arith.mulf %mul3A_99, %mul3A_101 : vector<1x128xf32>
    %concatenate3A = tpu.concatenate %mul3A_91, %mul3A_102 in 0 : vector<1x128xf32>, vector<1x128xf32> -> vector<2x128xf32>
    %swap3A_103 = arith.constant 0 : index
    %swap3A_104 = arith.constant 0 : index
    %swap3A_105 = vector.load %arg8[%swap3A_103, %swap3A_104] : memref<2x128xf32, #tpu.memory_space<vmem>>, vector<2x128xf32>
    tpu.vector_store %arg8[%swap3A_103, %swap3A_104], %concatenate3A {strides = array<i32>} : memref<2x128xf32, #tpu.memory_space<vmem>>, vector<2x128xf32>,
    return
  }
  func.func @transform_0(%arg0: i32) -> (i32, i32, i32) {
    %c0_i32 = arith.constant 0 : i32
    %c0_i32_0 = arith.constant 0 : i32
    %c0_i32_1 = arith.constant 0 : i32
    return %c0_i32, %arg0, %c0_i32_0 : i32, i32, i32
  }
  func.func @transform_1(%arg0: i32) -> (i32, i32, i32) {
    %c1_i32 = arith.constant 1 : i32
    %c0_i32 = arith.constant 0 : i32
    %c0_i32_0 = arith.constant 0 : i32
    return %c1_i32, %arg0, %c0_i32 : i32, i32, i32
  }
  func.func @transform_2(%arg0: i32) -> (i32, i32) {
    %c0_i32 = arith.constant 0 : i32
    %c0_i32_0 = arith.constant 0 : i32
    %c0_i32_1 = arith.constant 0 : i32
    return %c0_i32, %c0_i32_0 : i32, i32
  }
  func.func @transform_3(%arg0: i32) -> (i32, i32) {
    %c0_i32 = arith.constant 0 : i32
    %c0_i32_0 = arith.constant 0 : i32
    %c0_i32_1 = arith.constant 0 : i32
    return %c0_i32, %c0_i32_0 : i32, i32
  }
  func.func @transform_4(%arg0: i32) -> (i32, i32) {
    %c0_i32 = arith.constant 0 : i32
    %c0_i32_0 = arith.constant 0 : i32
    %c0_i32_1 = arith.constant 0 : i32
    return %c0_i32, %c0_i32_0 : i32, i32
  }
  func.func @transform_5(%arg0: i32) -> (i32, i32) {
    %c0_i32 = arith.constant 0 : i32
    %c0_i32_0 = arith.constant 0 : i32
    return %arg0, %c0_i32 : i32, i32
  }
  func.func @transform_6(%arg0: i32) -> (i32, i32) {
    %c0_i32 = arith.constant 0 : i32
    %c0_i32_0 = arith.constant 0 : i32
    return %arg0, %c0_i32 : i32, i32
  }
  func.func @transform_7(%arg0: i32) -> (i32, i32) {
    %c0_i32 = arith.constant 0 : i32
    %c0_i32_0 = arith.constant 0 : i32
    %c0_i32_1 = arith.constant 0 : i32
    return %c0_i32, %c0_i32_0 : i32, i32
  }
}

module attributes {stable_mosaic.version = 14 : i64} {
  func.func @_final_body(%arg0: i32, %arg1: memref<1000x128xf32, #tpu.memory_space<vmem>>, %arg2: memref<1000x128xf32, #tpu.memory_space<vmem>>, %arg3: memref<2x128xf32, #tpu.memory_space<vmem>>, %arg4: memref<128x3xf32, #tpu.memory_space<vmem>>, %arg5: memref<1x3xf32, #tpu.memory_space<vmem>>, %arg6: memref<1000x3xf32, #tpu.memory_space<vmem>>) attributes {dimension_semantics = [#tpu.dimension_semantics<arbitrary>], iteration_bounds = array<i64: 10>, scalar_prefetch = 0 : i64, scratch_operands = 0 : i64, tpu.core_type = #tpu.core_type<tc>, window_params = [{transform_indices = @transform_0, window_bounds = array<i64: 1000, 128>}, {transform_indices = @transform_1, window_bounds = array<i64: 1000, 128>}, {pipeline_mode = #tpu.pipeline_mode<synchronous>, transform_indices = @transform_2, window_bounds = array<i64: 2, 128>}, {pipeline_mode = #tpu.pipeline_mode<synchronous>, transform_indices = @transform_3, window_bounds = array<i64: 128, 3>}, {pipeline_mode = #tpu.pipeline_mode<synchronous>, transform_indices = @transform_4, window_bounds = array<i64: 1, 3>}, {transform_indices = @transform_5, window_bounds = array<i64: 1000, 3>}]} {
    %get3A = arith.constant 0 : index
    %get3A_0 = arith.constant 0 : index
    %get3A_1 = vector.load %arg3[%get3A, %get3A_0] : memref<2x128xf32, #tpu.memory_space<vmem>>, vector<1x128xf32>
    %get3A_2 = vector.shape_cast %get3A_1 : vector<1x128xf32> to vector<128xf32>
    %reduce_sum3A = vector.shape_cast %get3A_2 : vector<128xf32> to vector<1x128xf32>
    %reduce_sum3A_3 = arith.constant dense<0.000000e+00> : vector<1xf32>
    %reduce_sum3A_4 = vector.multi_reduction <add>, %reduce_sum3A, %reduce_sum3A_3 [1] : vector<1x128xf32> to vector<1xf32>
    %reduce_sum3A_5 = vector.shape_cast %reduce_sum3A_4 : vector<1xf32> to vector<1x1xf32>
    %reduce_sum3A_6 = vector.extract %reduce_sum3A_5[0, 0] : f32 from vector<1x1xf32>
    %get3A_7 = arith.constant 1 : index
    %get3A_8 = arith.constant 0 : index
    %get3A_9 = vector.load %arg3[%get3A_7, %get3A_8] : memref<2x128xf32, #tpu.memory_space<vmem>>, vector<1x128xf32>
    %get3A_10 = vector.shape_cast %get3A_9 : vector<1x128xf32> to vector<128xf32>
    %reduce_sum3A_11 = vector.shape_cast %get3A_10 : vector<128xf32> to vector<1x128xf32>
    %reduce_sum3A_12 = arith.constant dense<0.000000e+00> : vector<1xf32>
    %reduce_sum3A_13 = vector.multi_reduction <add>, %reduce_sum3A_11, %reduce_sum3A_12 [1] : vector<1x128xf32> to vector<1xf32>
    %reduce_sum3A_14 = vector.shape_cast %reduce_sum3A_13 : vector<1xf32> to vector<1x1xf32>
    %reduce_sum3A_15 = vector.extract %reduce_sum3A_14[0, 0] : f32 from vector<1x1xf32>
    %max3A = arith.maximumf %reduce_sum3A_6, %reduce_sum3A_15 : f32
    %sub3A = arith.subf %reduce_sum3A_6, %max3A : f32
    %exp3A = math.exp %sub3A : f32
    %sub3A_16 = arith.subf %reduce_sum3A_15, %max3A : f32
    %exp3A_17 = math.exp %sub3A_16 : f32
    %add3A = arith.addf %exp3A, %exp3A_17 : f32
    %div3A = arith.divf %exp3A, %add3A : f32
    %add3A_18 = arith.addf %exp3A, %exp3A_17 : f32
    %div3A_19 = arith.divf %exp3A_17, %add3A_18 : f32
    %get3A_20 = arith.constant 0 : index
    %get3A_21 = arith.constant 0 : index
    %get3A_22 = vector.load %arg1[%get3A_20, %get3A_21] : memref<1000x128xf32, #tpu.memory_space<vmem>>, vector<1000x128xf32>
    %mul3A = vector.broadcast %div3A : f32 to vector<1000x128xf32>
    %mul3A_23 = arith.mulf %mul3A, %get3A_22 : vector<1000x128xf32>
    %get3A_24 = arith.constant 0 : index
    %get3A_25 = arith.constant 0 : index
    %get3A_26 = vector.load %arg2[%get3A_24, %get3A_25] : memref<1000x128xf32, #tpu.memory_space<vmem>>, vector<1000x128xf32>
    %mul3A_27 = vector.broadcast %div3A_19 : f32 to vector<1000x128xf32>
    %mul3A_28 = arith.mulf %mul3A_27, %get3A_26 : vector<1000x128xf32>
    %add3A_29 = arith.addf %mul3A_23, %mul3A_28 : vector<1000x128xf32>
    %get3A_30 = arith.constant 0 : index
    %get3A_31 = arith.constant 0 : index
    %get3A_32 = vector.load %arg4[%get3A_30, %get3A_31] : memref<128x3xf32, #tpu.memory_space<vmem>>, vector<128x3xf32>
    %dot_general3A = arith.constant dense<0.000000e+00> : vector<1000x3xf32>
    %dot_general3A_33 = tpu.matmul %add3A_29, %get3A_32, %dot_general3A {dimension_numbers = #tpu.dot_dimension_numbers<[1], [0], [0], [1], [0, 0, 1, 1], [], []>, transpose_lhs_hint = false} : vector<1000x128xf32>, vector<128x3xf32>, vector<1000x3xf32> -> vector<1000x3xf32>
    %get3A_34 = arith.constant 0 : index
    %get3A_35 = arith.constant 0 : index
    %get3A_36 = vector.load %arg5[%get3A_34, %get3A_35] : memref<1x3xf32, #tpu.memory_space<vmem>>, vector<1x3xf32>
    %add3A_37 = vector.broadcast %get3A_36 : vector<1x3xf32> to vector<1000x3xf32>
    %add3A_38 = arith.addf %dot_general3A_33, %add3A_37 : vector<1000x3xf32>
    %swap3A = arith.constant 0 : index
    %swap3A_39 = arith.constant 0 : index
    %swap3A_40 = vector.load %arg6[%swap3A, %swap3A_39] : memref<1000x3xf32, #tpu.memory_space<vmem>>, vector<1000x3xf32>
    tpu.vector_store %arg6[%swap3A, %swap3A_39], %add3A_38 {strides = array<i32>} : memref<1000x3xf32, #tpu.memory_space<vmem>>, vector<1000x3xf32>,
    return
  }
  func.func @transform_0(%arg0: i32) -> (i32, i32) {
    %c0_i32 = arith.constant 0 : i32
    %c0_i32_0 = arith.constant 0 : i32
    return %arg0, %c0_i32 : i32, i32
  }
  func.func @transform_1(%arg0: i32) -> (i32, i32) {
    %c0_i32 = arith.constant 0 : i32
    %c0_i32_0 = arith.constant 0 : i32
    return %arg0, %c0_i32 : i32, i32
  }
  func.func @transform_2(%arg0: i32) -> (i32, i32) {
    %c0_i32 = arith.constant 0 : i32
    %c0_i32_0 = arith.constant 0 : i32
    %c0_i32_1 = arith.constant 0 : i32
    return %c0_i32, %c0_i32_0 : i32, i32
  }
  func.func @transform_3(%arg0: i32) -> (i32, i32) {
    %c0_i32 = arith.constant 0 : i32
    %c0_i32_0 = arith.constant 0 : i32
    %c0_i32_1 = arith.constant 0 : i32
    return %c0_i32, %c0_i32_0 : i32, i32
  }
  func.func @transform_4(%arg0: i32) -> (i32, i32) {
    %c0_i32 = arith.constant 0 : i32
    %c0_i32_0 = arith.constant 0 : i32
    %c0_i32_1 = arith.constant 0 : i32
    return %c0_i32, %c0_i32_0 : i32, i32
  }
  func.func @transform_5(%arg0: i32) -> (i32, i32) {
    %c0_i32 = arith.constant 0 : i32
    %c0_i32_0 = arith.constant 0 : i32
    return %arg0, %c0_i32 : i32, i32
  }
}

</mosaic_0001>

<sc_bundles>
// kernel: kernel.8.cloned.1.call-start
scs
__scs_entry_jumppad:
0x0: {  	(pc) =	sbr.rel $0x88, $3  }
0x1: {  	(tag) =	ssettag $0x0;
	lr =	simm.s32 $0x1  }
0x2: {  	[smem:$0x3F8D] =	sst lr;
	_ =	strace $0xD0000000  }
0x3: {  	_ = 	snop  }
0x4: {  	_ = 	snop  }
0x5: {  	_ = 	snop  }
0x6: {  	_ = 	snop  }
0x7: {  	_ = 	snop  }
__scs_overlays_trampoline_lowered:
0x8: {  	[smem:$0x3F9C] =	sst s0  }
0x9: {  	[smem:$0x3F9D] =	sst s1  }
0xa: {  	[smem:$0x3F9E] =	sst s2  }
0xb: {  	[smem:$0x3F9F] =	sst s3  }
0xc: {  	[smem:$0x3FA0] =	sst s4  }
0xd: {  	[smem:$0x3FA1] =	sst s5  }
0xe: {  	[smem:$0x3FA2] =	sst s6  }
0xf: {  	[smem:$0x3FA3] =	sst s7  }
0x10: {  	[smem:$0x3FA4] =	sst s8  }
0x11: {  	[smem:$0x3FA5] =	sst s9;
	s0 =	simm.s32 @!p0 $0x0  }
0x12: {  	s1 =	sld [smem:$0x3F8B];
	s0 =	simm.s32 @p0 $0x1  }
0x13: {  	[smem:$0x3FA6] =	sst s0;
	s0 =	simm.s32 @!p1 $0x0  }
0x14: {  	s2 =	sld [smem:$0x3F8A];
	s0 =	simm.s32 @p1 $0x1  }
0x15: {  	[smem:$0x3FA7] =	sst s0;
	s0 =	simm.s32 @!p2 $0x0  }
0x16: {  	s3 =	sld [smem:$0x3FDB];
	s0 =	simm.s32 @p2 $0x1  }
0x17: {  	s4 =	simm.s32 $0x1BF5;
	[smem:$0x3FA9] =	sst s0  }
0x18: {  	s0 =	sld [smem:$0x3F8C];
	_ =	swait.ge [sflag:s4], $0x0  }
0x19: {  	s7 =	sld [smem:$0x3F8D]  }
0x1a: {  	s8 =	sadd.s32 $0xFFFFE003, lr  }
0x1b: {  	s9 =	sadd.s32 $0xFFFFFEF7, lr;
	s5 =	simm.s32 $0xFFFFFFFF;
	p2 =	slt.u32 s8, $0xFFFFF086  }
0x1c: {  	p1 =	slt.u32 s9, $0xF7A;
	s5 =	simm.s32 @!p2 $0x0  }
0x1d: {  	s5 =	simm.s32 @p1 $0x1;
	p0 =	seq.s32 s7, s2  }
0x1e: {  	s7 =	smul.u32 @!p0 $0xF7A, s2;
	p2 =	seq.s32 @!p0 s5, $0x0  }
0x1f: {  	s9 =	smul.u32 $0xF7A, s1;
	s8 =	simm.s32 @!p0 $0x1BF5;
	p2 =	por !p2, p0  }
0x20: {  	[sflag:s8] =	ssyncset.s32 @!p0 $0xFFFFF086;
	s6 =	sadd.s32 @!p0 s3, s7;
	s7 =	simm.s32 @!p0 $0x108  }
0x21: {  	s3 =	sadd.s32 s3, s9;
	s6 =	sadd.s32 @!p0 $0x88, s6;
	s7 =	simm.s32 @p2 $0x1082  }
0x22: {  	[simem:s7], [sflag:s8] =	dma.local @!p0 [hbm:s6], $0xF7A  }
0x23: {  	s9 =	sor.u32 $0xD0000000, s2;
	s6 =	simm.s32 $0x108;
	_ =	swait.ge @!p0 [sflag:s8], $0x0  }
0x24: {  	s3 =	sadd.s32 $0x88, s3;
	s6 =	simm.s32 @!p1 $0x1082;
	[sflag:s4] =	ssyncset.s32 $0xFFFFF086  }
0x25: {  	[simem:s6], [sflag:s4] =	dma.local [hbm:s3], $0xF7A  }
0x26: {  	[smem:$0x3F8D] =	sst s1;
	(tag) =	ssettag s2;
	_ =	strace s9  }
0x27: {  	s1 =	sld [smem:$0x3F9D]  }
0x28: {  	s2 =	sld [smem:$0x3F9E]  }
0x29: {  	s4 =	sld [smem:$0x3FA0]  }
0x2a: {  	p0 =	seq.s32 s5, $0x0;
	s5 =	sld [smem:$0x3FA1]  }
0x2b: {  	s6 =	sld [smem:$0x3FA2]  }
0x2c: {  	s7 =	sld [smem:$0x3FA3]  }
0x2d: {  	s3 =	simm.s32 $0x108;
	s8 =	sld [smem:$0x3FA4]  }
0x2e: {  	s3 =	simm.s32 @!p0 $0x1082;
	s9 =	sld [smem:$0x3FA5]  }
0x2f: {  	lr =	sadd.s32 s0, s3;
	s0 =	sld [smem:$0x3F9C]  }
0x30: {  	s3 =	sld [smem:$0x3F9F]  }
0x31: {  	[smem:$0x3FA8] =	sst s10  }
0x32: {  	s10 =	sld [smem:$0x3FA6];
	_ =	sdelay $0x3  }
0x33: {  	p0 =	seq.s32 s10, $0x1;
	s10 =	sld [smem:$0x3FA8];
	_ =	sdelay $0x3  }
0x34: {  	[smem:$0x3FA8] =	sst s10  }
0x35: {  	s10 =	sld [smem:$0x3FA7];
	_ =	sdelay $0x3  }
0x36: {  	p1 =	seq.s32 s10, $0x1;
	s10 =	sld [smem:$0x3FA8];
	_ =	sdelay $0x3  }
0x37: {  	[smem:$0x3FA8] =	sst s10  }
0x38: {  	s10 =	sld [smem:$0x3FA9]  }
0x39: {  	_ = 	snop;
	(pc) =	sbr.ind lr, $3  }
0x3a: {  	_ = 	snop  }
0x3b: {  	_ = 	snop  }
0x3c: {  	p2 =	seq.s32 s10, $0x1;
	s10 =	sld [smem:$0x3FA8]  }
0x3d: {  	_ =	shalt  }
0x3e: {  	_ =	shalt  }
0x3f: {  	_ =	shalt  }
0x40: {  	_ =	shalt  }
0x41: {  	_ =	shalt  }
0x42: {  	_ =	shalt  }
0x43: {  	_ =	shalt  }
0x44: {  	_ =	shalt  }
0x45: {  	_ =	shalt  }
0x46: {  	_ =	shalt  }
0x47: {  	_ =	shalt  }
0x48: {  	_ =	shalt  }
0x49: {  	_ =	shalt  }
0x4a: {  	_ =	shalt  }
0x4b: {  	_ =	shalt  }
0x4c: {  	_ =	shalt  }
0x4d: {  	_ =	shalt  }
0x4e: {  	_ =	shalt  }
0x4f: {  	_ =	shalt  }
0x50: {  	_ =	shalt  }
0x51: {  	_ =	shalt  }
0x52: {  	_ =	shalt  }
0x53: {  	_ =	shalt  }
0x54: {  	_ =	shalt  }
0x55: {  	_ =	shalt  }
0x56: {  	_ =	shalt  }
0x57: {  	_ =	shalt  }
0x58: {  	_ =	shalt  }
0x59: {  	_ =	shalt  }
0x5a: {  	_ =	shalt  }
0x5b: {  	_ =	shalt  }
0x5c: {  	_ =	shalt  }
0x5d: {  	_ =	shalt  }
0x5e: {  	_ =	shalt  }
0x5f: {  	_ =	shalt  }
0x60: {  	_ =	shalt  }
0x61: {  	_ =	shalt  }
0x62: {  	_ =	shalt  }
0x63: {  	_ =	shalt  }
0x64: {  	_ =	shalt  }
0x65: {  	_ =	shalt  }
0x66: {  	_ =	shalt  }
0x67: {  	_ =	shalt  }
0x68: {  	_ =	shalt  }
0x69: {  	_ =	shalt  }
0x6a: {  	_ =	shalt  }
0x6b: {  	_ =	shalt  }
0x6c: {  	_ =	shalt  }
0x6d: {  	_ =	shalt  }
0x6e: {  	_ =	shalt  }
0x6f: {  	_ =	shalt  }
0x70: {  	_ =	shalt  }
0x71: {  	_ =	shalt  }
0x72: {  	_ =	shalt  }
0x73: {  	_ =	shalt  }
0x74: {  	_ =	shalt  }
0x75: {  	_ =	shalt  }
0x76: {  	_ =	shalt  }
0x77: {  	_ =	shalt  }
0x78: {  	_ =	shalt  }
0x79: {  	_ =	shalt  }
0x7a: {  	_ =	shalt  }
0x7b: {  	_ =	shalt  }
0x7c: {  	_ =	shalt  }
0x7d: {  	_ =	shalt  }
0x7e: {  	_ =	shalt  }
0x7f: {  	_ =	shalt  }
0x80: {  	_ =	shalt  }
0x81: {  	_ =	shalt  }
0x82: {  	_ =	shalt  }
0x83: {  	_ =	shalt  }
0x84: {  	_ =	shalt  }
0x85: {  	_ =	shalt  }
0x86: {  	_ =	shalt  }
0x87: {  	_ =	shalt  }
.Lfunc_end0:
.L_simem_size_0:
called_computation_lowered:
.L_overlay_start_0:
0x88: {  	s2 =	sld [smem:$0x3FD9]  }
0x89: {  	s3 =	sld [smem:$0x3FFE];
	_ =	sdelay $0x1  }
0x8a: {  	s1 =	srdreg.scid  }
0x8b: {  	s0 =	sand.u32 $0x1, s1  }
0x8c: {  	s17 =	sshll.u32 s0, $0xA;
	s2 =	sadd.s32 s3, s2  }
0x8d: {  	s2 =	sadd.s32 s2, s17  }
0x8e: {  	[smem:$0x3FB4] =	sst s2  }
0x8f: {  	_ = 	snop  }
0x90: {  	s2 =	sld [smem:$0x3FD0];
	(tm) =	ssettm $0x1  }
0x91: {  	s18 =	sld [smem:$0x3FFB];
	_ =	sdelay $0x3  }
0x92: {  	_ =	strace s18  }
0x93: {  	s3 =	sld [smem:$0x3FFC];
	_ =	sdelay $0x3  }
0x94: {  	_ =	strace s3  }
0x95: {  	s3 =	sld [smem:$0x3FFD];
	_ =	sdelay $0x3  }
0x96: {  	_ =	strace s3  }
0x97: {  	_ =	strace $0x8FFFFFFF  }
0x98: {  	s19 =	sld [smem:$0x3FDB];
	_ =	sdelay $0x1  }
0x99: {  	s4 =	simm.s32 $_scs_section_size  }
0x9a: {  	s5 =	simm.s32 $_size__tile_overlayer_lowered;
	s6 =	simm.s32 $_tile_overlayer_lowered  }
0x9b: {  	s22 =	simm.s32 $0x1BFF;
	s21 =	sshll.u32 s6, $0x1;
	s3 =	sadd.s32 s4, s19  }
0x9c: {  	s7 =	simm.s32 $0x0;
	s20 =	sshll.u32 s5, $0x1;
	s5 =	sadd.s32 s21, s3  }
0x9d: {  	[timem:s7], [sflag:s22] =	dma.local [hbm:s5], s20  }
0x9e: {  	_ =	swait.ge [sflag:s22], s20  }
0x9f: {  	s4 =	ssub.s32 $0x0, s20;
	[sflag:s22] =	ssyncset.done $0x0  }
0xa0: {  	[sflag:s22] =	ssyncadd.s32 s4;
	_ =	sdelay $0x1  }
0xa1: {  	s23 =	simm.s32 $0x1B8B  }
0xa2: {  	_ =	swait.ge [sflag:s23], $0x1  }
0xa3: {  	[sflag:s23] =	ssyncset.done $0x0  }
0xa4: {  	s25 =	simm.s32 $0x1B8E;
	s24 =	sld [smem:$0x3FFE];
	[sflag:s23] =	ssyncadd.s32 $0xFFFFFFFF  }
0xa5: {  	s26 =	simm.s32 $execute0_lowered;
	[smem:$0x3FD2] =	sst s25  }
0xa6: {  	s5 =	sshll.u32 s26, $0x1;
	_ =	strace $0x80000046;
	[dreg:$0x1] =	wrdreg $0xFFFFFFFF  }
0xa7: {  	s28 =	simm.s32 $_size_execute0_lowered;
	s3 =	sadd.s32 s3, s5;
	[dreg:$0x0] =	wrdreg $0x0  }
0xa8: {  	s5 =	sshll.u32 s28, $0x1;
	[dreg:$0x2] =	wrdreg s3  }
0xa9: {  	[dreg:$0x3] =	wrdreg s5  }
0xaa: {  	[dreg:$0x4] =	wrdreg $0xC0  }
0xab: {  	_ =	task [dreg:s7], $0x5FFFF  }
0xac: {  	[dreg:$0x1] =	wrdreg $0xFFFFFFFF  }
0xad: {  	[dreg:$0x0] =	wrdreg $0x60  }
0xae: {  	[dreg:$0x2] =	wrdreg s24  }
0xaf: {  	[dreg:$0x3] =	wrdreg s2  }
0xb0: {  	[dreg:$0x4] =	wrdreg $0x0  }
0xb1: {  	[dreg:$0x5] =	wrdreg $0x9  }
0xb2: {  	_ =	task.clear_ibuf [dreg:s7], $0x6FFFF;
	_ =	strace $0x90000046  }
0xb3: {  	s29 =	simm.s32 $0x9;
	_ =	strace $0x80000048  }
0xb4: {  	_ =	swait.ge [sflag:s29], $0x1  }
0xb5: {  	[sflag:s29] =	ssyncadd.s32 $0xFFFFFFFF  }
0xb6: {  	_ =	strace $0x90000048  }
0xb7: {  	_ =	sfence  }
0xb8: {  	s30 =	sld [smem:$0x0];
	_ =	sdelay $0x2  }
0xb9: {  	s31 =	sshll.u32 s1, $0xD;
	s1 =	sshrl.u32 s1, $0x2  }
0xba: {  	s3 =	sand.u32 $0x4000, s31;
	s1 =	sadd.s32 s1, s30  }
0xbb: {  	s0 =	sor.u32 s3, s0;
	s1 =	sshll.u32 s1, $0x11  }
0xbc: {  	s0 =	sor.u32 s1, s0  }
0xbd: {  	s0 =	sadd.s32 $0x8F2B, s0  }
0xbe: {  	[sflag:s0] =	ssyncadd.remote.s32 $0x1  }
0xbf: {  	_ =	sfence.sel $0xFFFF  }
0xc0: {  	[dreg:$0x0] =	wrdreg $0xFFFFFFFF;
	(pc) =	sbr.abs _section_cstart, $3  }
0xc1: {  	[dreg:$0x1] =	wrdreg $0xFFFFFFFF  }
0xc2: {  	_ =	task.clear_ibuf [dreg:s7], $0x2FFFF;
	_ =	strace $0x9FFFFFFF  }
0xc3: {  	(tm) =	ssettm $0x7FFFFFFF  }
tec
execute0_lowered:
.L_overlay_start_1:
0x0: {  	(tag) =	ssettag $0x1  }
0x1: {  	s0 =	rddreg [dreg:$0x0]  }
0x2: {  	s2 =	rddreg [dreg:$0x1]  }
0x3: {  	s1 =	rddreg [dreg:$0x2];
	s4 =	simm.s32 $0x0  }
0x4: {  	s3 =	srdreg.scid;
	s16 =	stileid.u32;
	s30 =	simm.s32 $0x7  }
0x5: {  	s31 =	simm.s32 $0x19500;
	s29 =	simm.s32 $0x1E000;
	s28 =	simm.s32 $0x0  }
0x6: {  	[smem:$0x7FF] =	sst s4;
	s3 =	sand.u32 $0x1, s3;
	s4 =	sadd.s32 $0x9E200, s0  }
0x7: {  	s7 =	smul.u32 $0x16800, s16;
	s8 =	sadd.s32 $0xF6200, s0;
	s16 =	sshll.u32 s16, $0x8  }
0x8: {  	_ =	strace $0x80000047;
	s5 =	ssub.s32 $0x2, s3;
	s25 =	sshll.u32 s3, $0x1  }
0x9: {  	s12 =	smul.u32 $0x168000, s3;
	s3 =	sshll.u32 s3, $0xC;
	s6 =	sshrl.u32 s5, $0x1  }
0xa: {  	s2 =	sadd.s32 s2, s25;
	s9 =	sadd.s32 $0x5A00, s7;
	s10 =	sadd.s32 $0x8700, s7  }
0xb: {  	s11 =	sadd.s32 $0xB400, s7;
	s13 =	sadd.s32 $0xE100, s7;
	s14 =	sadd.s32 $0x10E00, s7  }
0xc: {  	s19 =	sadd.s32 $0x13B00, s7;
	s5 =	ssub.s32 s5, s6;
	[dreg:$0x4] =	wrdreg s2  }
0xd: {  	s2 =	sadd.s32 $0x2D00, s7;
	s26 =	sadd.s32 s7, s12;
	s6 =	sor.u32 s16, s3  }
0xe: {  	s18 =	sadd.s32 s12, s9;
	s20 =	sadd.s32 s12, s10;
	s21 =	sadd.s32 s12, s11  }
0xf: {  	s24 =	sadd.s32 s12, s13;
	s25 =	sadd.s32 s12, s14;
	s13 =	sadd.s32 s13, s1  }
0x10: {  	s14 =	sadd.s32 s14, s1;
	s15 =	sadd.s32 s12, s2;
	s17 =	sshrl.u32 s26, $0x3  }
0x11: {  	s3 =	sshrl.u32 s18, $0x3;
	s12 =	sadd.s32 s12, s19;
	[dreg:$0x11] =	wrdreg s13  }
0x12: {  	s18 =	sadd.s32 $0xBC00, s0;
	[dreg:$0x12] =	wrdreg s14;
	s13 =	simm.s32 $0x4  }
0x13: {  	s15 =	sshrl.u32 s15, $0x3;
	s16 =	sadd.s32 s8, s17;
	s3 =	sadd.s32 s8, s3  }
0x14: {  	s12 =	sshrl.u32 s12, $0x3;
	[dreg:$0x5] =	wrdreg s16;
	s17 =	sadd.s32 s8, s15  }
0x15: {  	s15 =	sshrl.u32 s20, $0x3;
	s16 =	sshrl.u32 s21, $0x3;
	[dreg:$0x7] =	wrdreg s3  }
0x16: {  	s3 =	sshrl.u32 s24, $0x3;
	s12 =	sadd.s32 s8, s12;
	s21 =	sadd.s32 s7, s1  }
0x17: {  	s24 =	sadd.s32 s10, s1;
	s20 =	sadd.s32 s19, s1;
	[dreg:$0x6] =	wrdreg s17  }
0x18: {  	s7 =	simm.s32 $0x1C200;
	s10 =	simm.s32 $0x3;
	[dreg:$0xc] =	wrdreg s12  }
0x19: {  	s22 =	sadd.s32 s8, s15;
	s23 =	sadd.s32 s8, s16;
	[dreg:$0x13] =	wrdreg s20  }
0x1a: {  	s15 =	sshrl.u32 s25, $0x3;
	s3 =	sadd.s32 s8, s3;
	[dreg:$0xf] =	wrdreg s24  }
0x1b: {  	s16 =	sadd.s32 $0x33C00, s0;
	s17 =	sadd.s32 $0x1FC00, s0;
	[dreg:$0x8] =	wrdreg s22  }
0x1c: {  	s25 =	sadd.s32 s11, s1;
	s11 =	simm.s32 $0x5;
	[dreg:$0x9] =	wrdreg s23  }
0x1d: {  	s12 =	simm.s32 $0x2;
	[dreg:$0xa] =	wrdreg s3;
	s26 =	sadd.s32 s8, s15  }
0x1e: {  	s15 =	sadd.s32 $0x1E00, s0;
	s22 =	sadd.s32 s2, s1;
	[dreg:$0x10] =	wrdreg s25  }
0x1f: {  	s23 =	sadd.s32 s9, s1;
	s0 =	simm.s32 $0x1CC00;
	[dreg:$0xb] =	wrdreg s26  }
0x20: {  	s2 =	simm.s32 $0x1D600;
	s3 =	simm.s32 $0x50;
	[dreg:$0xd] =	wrdreg s22  }
0x21: {  	s8 =	simm.s32 $0x1C700;
	s26 =	smax.u32 s5, $0x1;
	[dreg:$0xe] =	wrdreg s23  }
0x22: {  	v0 =	vimm.f32 $0.0e+00;
	vm0 =	vmmov $0xff;
	s9 =	simm.s32 $0x1;
	s5 =	simm.s32 $0x16800;
	[dreg:$0x14] =	wrdreg s26  }
.LBB2_1:
0x23: {  	s14 =	simm.s32 $0x0;
	s19 =	rddreg [dreg:$0x4];
	s20 =	simm.s32 $0x1EA00  }
0x24: {  	[tilespmem:s20], [sflag:$0x7] =	stream.linear.gather [hbm4b:s19+s14], $0x10, $0x38;
	[tilespmem:$0x1EA10] =	vst v63  }
0x25: {  	_ =	swait.ge [sflag:s30], $0x10  }
0x26: {  	[sflag:s30] =	ssyncset.done $0x0  }
0x27: {  	s14 =	simm.s32 $0x0;
	s19 =	simm.s32 $0x240;
	[sflag:s30] =	ssyncadd.s32 $0xFFFFFFF0  }
.LBB2_2:
0x28: {  	p0 =	sne.s32 s19, $0xB1C0;
	[tilespmem:s14+$0x19580] =	vst v0  }
0x29: {  	[tilespmem:s14+$0x19500] =	vst v0  }
0x2a: {  	[tilespmem:s14+$0x19510] =	vst v0  }
0x2b: {  	[tilespmem:s14+$0x19520] =	vst v0  }
.Ltmp0:
0x2c: {  	[tilespmem:s14+$0x19530] =	vst v0;
	(pc) =	sbr.rel @p0 .LBB2_2-.Ltmp0, $4  }
0x2d: {  	[tilespmem:s14+$0x19540] =	vst v0  }
0x2e: {  	[tilespmem:s14+$0x19550] =	vst v0  }
0x2f: {  	[tilespmem:s14+$0x19560] =	vst v0  }
0x30: {  	[tilespmem:s14+$0x19570] =	vst v0;
	s14 =	sshra.s32 s19, $0x2;
	s19 =	sadd.s32 $0x240, s19  }
0x31: {  	[tilespmem:s14+$0x19580] =	vst v0  }
0x32: {  	[tilespmem:s14+$0x19500] =	vst v0  }
0x33: {  	[tilespmem:s14+$0x19510] =	vst v0  }
0x34: {  	[tilespmem:s14+$0x19520] =	vst v0  }
0x35: {  	[tilespmem:s14+$0x19530] =	vst v0  }
0x36: {  	[tilespmem:s14+$0x19540] =	vst v0  }
0x37: {  	[tilespmem:s14+$0x19550] =	vst v0  }
0x38: {  	[tilespmem:s14+$0x19560] =	vst v0  }
0x39: {  	[tilespmem:s14+$0x19570] =	vst v0  }
0x3a: {  	[spmem:s21] =	stream.linear.scatter [tilespmem:s31], [sflag:$0x7], $0x2D00, $0x38;
	[tilespmem:$0x1EA10] =	vst v63  }
0x3b: {  	_ =	swait.ge [sflag:s30], $0x2D00  }
0x3c: {  	[sflag:s30] =	ssyncset.done $0x0  }
0x3d: {  	[sflag:s30] =	ssyncadd.s32 $0xFFFFD300  }
0x3e: {  	[spmem:s22] =	stream.linear.scatter [tilespmem:s31], [sflag:$0x7], $0x2D00, $0x38;
	[tilespmem:$0x1EA10] =	vst v63  }
0x3f: {  	_ =	swait.ge [sflag:s30], $0x2D00  }
0x40: {  	[sflag:s30] =	ssyncset.done $0x0  }
0x41: {  	[sflag:s30] =	ssyncadd.s32 $0xFFFFD300  }
0x42: {  	[spmem:s23] =	stream.linear.scatter [tilespmem:s31], [sflag:$0x7], $0x2D00, $0x38;
	[tilespmem:$0x1EA10] =	vst v63  }
0x43: {  	_ =	swait.ge [sflag:s30], $0x2D00  }
0x44: {  	[sflag:s30] =	ssyncset.done $0x0  }
0x45: {  	[sflag:s30] =	ssyncadd.s32 $0xFFFFD300  }
0x46: {  	[spmem:s24] =	stream.linear.scatter [tilespmem:s31], [sflag:$0x7], $0x2D00, $0x38;
	[tilespmem:$0x1EA10] =	vst v63  }
0x47: {  	_ =	swait.ge [sflag:s30], $0x2D00  }
0x48: {  	[sflag:s30] =	ssyncset.done $0x0  }
0x49: {  	[sflag:s30] =	ssyncadd.s32 $0xFFFFD300  }
0x4a: {  	[spmem:s25] =	stream.linear.scatter [tilespmem:s31], [sflag:$0x7], $0x2D00, $0x38;
	[tilespmem:$0x1EA10] =	vst v63  }
0x4b: {  	_ =	swait.ge [sflag:s30], $0x2D00  }
0x4c: {  	[sflag:s30] =	ssyncset.done $0x0  }
0x4d: {  	s23 =	rddreg [dreg:$0x11];
	[sflag:s30] =	ssyncadd.s32 $0xFFFFD300  }
0x4e: {  	[spmem:s23] =	stream.linear.scatter [tilespmem:s31], [sflag:$0x7], $0x2D00, $0x38;
	[tilespmem:$0x1EA10] =	vst v63  }
0x4f: {  	_ =	swait.ge [sflag:s30], $0x2D00  }
0x50: {  	[sflag:s30] =	ssyncset.done $0x0  }
0x51: {  	s24 =	rddreg [dreg:$0x12];
	[sflag:s30] =	ssyncadd.s32 $0xFFFFD300  }
0x52: {  	[spmem:s24] =	stream.linear.scatter [tilespmem:s31], [sflag:$0x7], $0x2D00, $0x38;
	[tilespmem:$0x1EA10] =	vst v63  }
0x53: {  	_ =	swait.ge [sflag:s30], $0x2D00  }
0x54: {  	[sflag:s30] =	ssyncset.done $0x0  }
0x55: {  	s25 =	rddreg [dreg:$0x13];
	[sflag:s30] =	ssyncadd.s32 $0xFFFFD300  }
0x56: {  	[spmem:s25] =	stream.linear.scatter [tilespmem:s31], [sflag:$0x7], $0x2D00, $0x38;
	[tilespmem:$0x1EA10] =	vst v63  }
0x57: {  	_ =	swait.ge [sflag:s30], $0x2D00  }
0x58: {  	[sflag:s30] =	ssyncset.done $0x0  }
0x59: {  	[sflag:s30] =	ssyncadd.s32 $0xFFFFD300  }
0x5a: {  	[bflag:$0x0] =	sbarrier.arrive $0xFFFF  }
0x5b: {  	v63 =	vld [tilespmem:$0x1EA00];
	_ =	sdelay $0x4  }
0x5c: {  	s26 =	smov.u32 s21;
	s14 =	simm.s32 $0x0;
	s19 =	simm.s32 $0x0;
	[tilespmem:$0x1FFF0] =	vst v63  }
.LBB2_4:
0x5d: {  	p0 =	seq.s32 s19, $0x0;
	s20 =	sshll.u32 s19, $0x5  }
0x5e: {  	s21 =	simm.s32 @!p0 $0x6;
	s20 =	sadd.s32 s6, s20  }
0x5f: {  	_ =	swait.ge @!p0 [sflag:s21], $0x2D00;
	s20 =	smul.u32 $0xA, s20  }
0x60: {  	[sflag:s21] =	ssyncset.done @!p0 $0x0  }
0x61: {  	[sflag:s21] =	ssyncadd.s32 @!p0 $0xFFFFD300;
	s24 =	sadd.s32 s16, s20  }
0x62: {  	[tilespmem:s0], [sflag:$0x7] =	stream.linear.gather [hbm4b:s24+s14], $0xA00, $0x38;
	[tilespmem:$0x1EA10] =	vst v63  }
0x63: {  	_ =	swait.ge [sflag:s30], $0xA00  }
0x64: {  	[sflag:s30] =	ssyncset.done $0x0  }
0x65: {  	s25 =	sadd.s32 s17, s20;
	[sflag:s30] =	ssyncadd.s32 $0xFFFFF600  }
0x66: {  	[tilespmem:s2], [sflag:$0x7] =	stream.linear.gather [hbm4b:s25+s14], $0xA00, $0x38;
	[tilespmem:$0x1EA10] =	vst v63  }
0x67: {  	_ =	swait.ge [sflag:s30], $0xA00  }
0x68: {  	[sflag:s30] =	ssyncset.done $0x0  }
0x69: {  	s20 =	sadd.s32 s18, s20;
	[sflag:s30] =	ssyncadd.s32 $0xFFFFF600  }
0x6a: {  	[tilespmem:s29], [sflag:$0x7] =	stream.linear.gather [hbm4b:s20+s14], $0xA00, $0x38;
	[tilespmem:$0x1EA10] =	vst v63  }
0x6b: {  	_ =	swait.ge [sflag:s30], $0xA00  }
0x6c: {  	[sflag:s30] =	ssyncset.done $0x0  }
0x6d: {  	[sflag:s30] =	ssyncadd.s32 $0xFFFFF600  }
0x6e: {  	[tilespmem:s5], [sflag:$0x1] =	stream.indirect.gather [hbm4b:s4+s3], $0x90, s0, s3, $0xb8;
	[tilespmem:$0x1EA10] =	vst v63  }
0x6f: {  	s20 =	simm.s32 $0x0  }
0x70: {  	[tilespmem:s7], [sflag:$0x3] =	stream.indirect.gather [hbm4b:s15+s3], $0x10, s2, s3, $0xb8;
	[tilespmem:$0x1EA10] =	vst v63  }
.LBB2_5:
0x71: {  	s21 =	sshll.u32 s20, $0x1;
	p0 =	seq.s32 s20, $0x0  }
0x72: {  	s22 =	simm.s32 @!p0 $0x6;
	s21 =	sor.u32 $0x1, s21  }
0x73: {  	_ =	swait.ge @!p0 [sflag:s22], $0x2D00;
	s23 =	smul.u32 $0x50, s21  }
0x74: {  	[sflag:s22] =	ssyncset.done @!p0 $0x0  }
0x75: {  	[sflag:s22] =	ssyncadd.s32 @!p0 $0xFFFFD300;
	s24 =	sadd.s32 $0x1CC00, s23  }
0x76: {  	[tilespmem:s31], [sflag:$0x2] =	stream.indirect.gather [hbm4b:s4+s3], $0x90, s24, s3, $0xb8;
	[tilespmem:$0x1EA10] =	vst v63  }
0x77: {  	s25 =	sadd.s32 $0x1D600, s23  }
0x78: {  	[tilespmem:s8], [sflag:$0x4] =	stream.indirect.gather [hbm4b:s15+s3], $0x10, s25, s3, $0xb8;
	[tilespmem:$0x1EA10] =	vst v63  }
0x79: {  	_ =	swait.ge [sflag:s9], $0x2D00  }
0x7a: {  	[sflag:s9] =	ssyncset.done $0x0  }
0x7b: {  	[sflag:s9] =	ssyncadd.s32 $0xFFFFD300  }
0x7c: {  	_ =	swait.ge [sflag:s10], $0x500  }
0x7d: {  	[sflag:s10] =	ssyncset.done $0x0  }
0x7e: {  	s22 =	simm.s32 $0x16920;
	[sflag:s10] =	ssyncadd.s32 $0xFFFFFB00  }
0x7f: {  	s23 =	simm.s32 $0x1C220;
	v2 =	vld [tilespmem:s22+$0x110]  }
0x80: {  	v3 =	vld [tilespmem:s23+$0x10];
	_ =	sdelay $0x1  }
0x81: {  	v5 =	vld [tilespmem:s22+$0xFFFFFFF0]  }
0x82: {  	v8 =	vld [tilespmem:s23+$0xFFFFFFF0]  }
0x83: {  	v4 =	vld [tilespmem:s23+$0xFFFFFFE0]  }
0x84: {  	v10 =	vld [tilespmem:s22+$0x80];
	v2 =	vadd.f32 v3, v2  }
0x85: {  	v3 =	vld [tilespmem:s22+$0xFFFFFF60]  }
0x86: {  	v11 =	vld [tilespmem:s23+$0x0];
	v9 =	vmul.f32 $2.000000030e-01, v2  }
0x87: {  	v6 =	vld [tilespmem:s22+$0xFFFFFEE0];
	v5 =	vadd.f32 v8, v5  }
0x88: {  	v7 =	vld [tilespmem:s22+$0xFFFFFEF0];
	v2 =	vmax.f32 v2, v9  }
0x89: {  	v13 =	vld [tilespmem:s22+$0xFFFFFF50];
	v12 =	vmul.f32 $2.000000030e-01, v5;
	v2 =	vsub.f32 v2, v63  }
0x8a: {  	v16 =	vld [tilespmem:s22+$0xFFFFFF90];
	v3 =	vadd.f32 v4, v3  }
0x8b: {  	v17 =	vld [tilespmem:s22+$0xFFFFFFA0];
	v14 =	vadd.f32 v11, v10;
	v4 =	vmax.f32 v5, v12;
	v2 =	vmul.f32 $1.442695020e+00, v2  }
0x8c: {  	v18 =	vld [tilespmem:s22+$0xFFFFFFB0];
	v4 =	vsub.f32 v4, v63;
	v15 =	vmul.f32 $2.000000030e-01, v3  }
0x8d: {  	v19 =	vld [tilespmem:s22+$0xFFFFFFC0];
	v5 =	vmul.f32 $2.000000030e-01, v14;
	(erf) = vpow2.f32 v2  }
0x8e: {  	v25 =	vld [tilespmem:s22+$0x100];
	v2 =	vmax.f32 v3, v15;
	v3 =	vmul.f32 $1.442695020e+00, v4  }
0x8f: {  	v20 =	vld [tilespmem:s22+$0xFFFFFFD0];
	v5 =	vmax.f32 v14, v5  }
0x90: {  	v22 =	vld [tilespmem:s22+$0xFFFFFFE0];
	v4 =	vsub.f32 v5, v63;
	(erf) = vpow2.f32 v3  }
0x91: {  	v21 =	vld [tilespmem:s22+$0x0]  }
0x92: {  	v24 =	vld [tilespmem:s22+$0x10];
	v4 =	vmul.f32 $1.442695020e+00, v4  }
0x93: {  	v23 =	vld [tilespmem:s22+$0x20]  }
0x94: {  	v32 =	vld [tilespmem:s22+$0x30];
	v2 =	vsub.f32 v2, v63;
	(erf) = vpow2.f32 v4  }
0x95: {  	v29 =	vld [tilespmem:s22+$0x50]  }
0x96: {  	v28 =	vld [tilespmem:s22+$0x60];
	v2 =	vmul.f32 $1.442695020e+00, v2;
	v33 =	vpop (erf)  }
0x97: {  	v27 =	vld [tilespmem:s22+$0xA0];
	v26 =	vbroadcast v33, $0x7  }
0x98: {  	v30 =	vld [tilespmem:s22+$0xB0];
	(erf) = vpow2.f32 v2;
	v4 =	vbroadcast v33, $0x0  }
0x99: {  	v36 =	vld [tilespmem:s22+$0x70];
	v5 =	vbroadcast v33, $0x1;
	v35 =	vpop (erf);
	v26 =	vmul.f32 v25, v26  }
0x9a: {  	v8 =	vld [tilespmem:s22+$0xFFFFFF00];
	v43 =	vbroadcast v35, $0x0;
	v40 =	vbroadcast v35, $0x1  }
0x9b: {  	v10 =	vld [tilespmem:s22+$0xFFFFFF20];
	v41 =	vbroadcast v35, $0x2;
	v38 =	vbroadcast v35, $0x3  }
0x9c: {  	v11 =	vld [tilespmem:s22+$0xFFFFFF30];
	v42 =	vbroadcast v35, $0x4;
	v39 =	vbroadcast v35, $0x5  }
0x9d: {  	v9 =	vld [tilespmem:s22+$0xFFFFFF10];
	v52 =	vbroadcast v35, $0x6;
	v50 =	vbroadcast v35, $0x7;
	v37 =	vpop (erf)  }
0x9e: {  	v12 =	vld [tilespmem:s22+$0xFFFFFF40];
	v53 =	vbroadcast v37, $0x0;
	v51 =	vbroadcast v37, $0x1  }
0x9f: {  	v14 =	vld [tilespmem:s22+$0xFFFFFF70];
	v49 =	vbroadcast v37, $0x2;
	v48 =	vbroadcast v37, $0x3  }
0xa0: {  	v15 =	vld [tilespmem:s22+$0xFFFFFF80];
	v44 =	vnsel vm0, $0x0, v33;
	v47 =	vbroadcast v37, $0x4;
	v46 =	vbroadcast v37, $0x5  }
0xa1: {  	[tilespmem:s22+$0x110] =	vst v44;
	v25 =	vld [tilespmem:s22+$0x40];
	v35 =	vnsel vm0, $0x0, v35;
	v31 =	vpop (erf);
	v45 =	vbroadcast v37, $0x6;
	v44 =	vbroadcast v37, $0x7  }
0xa2: {  	[tilespmem:s22+$0xFFFFFFF0] =	vst v35;
	v35 =	vld [tilespmem:s22+$0xE0];
	v60 =	vbroadcast v31, $0x0;
	v56 =	vbroadcast v31, $0x1  }
0xa3: {  	[tilespmem:s22+$0x100] =	vst v26;
	v26 =	vld [tilespmem:s22+$0x90];
	v61 =	vbroadcast v31, $0x2;
	v57 =	vbroadcast v31, $0x3  }
0xa4: {  	v63 =	vnsel vm0, $0x0, v37;
	v37 =	vld [tilespmem:s22+$0xF0];
	v59 =	vbroadcast v31, $0x4;
	v55 =	vbroadcast v31, $0x5  }
0xa5: {  	v58 =	vbroadcast v31, $0x6;
	v54 =	vbroadcast v31, $0x7;
	v34 =	vnsel vm0, $0x0, v31;
	v31 =	vld [tilespmem:s22+$0xC0];
	[tilespmem:s22+$0x80] =	vst v63  }
0xa6: {  	s24 =	simm.s32 $0x0;
	s25 =	simm.s32 $0x16B60;
	v3 =	vbroadcast v33, $0x2;
	v2 =	vbroadcast v33, $0x3;
	[tilespmem:s22+$0xFFFFFF60] =	vst v34;
	v34 =	vld [tilespmem:s22+$0xD0]  }
.LBB2_6:
0xa7: {  	v6 =	vmul.f32 v60, v6  }
0xa8: {  	s23 =	sadd.s32 $0x40, s23;
	v7 =	vmul.f32 v56, v7  }
0xa9: {  	v60 =	vld [tilespmem:s23+$0xFFFFFFE0];
	v8 =	vmul.f32 v61, v8;
	[tilespmem:s22+$0xFFFFFEE0] =	vst v6  }
0xaa: {  	v62 =	vld [tilespmem:s25+$0x110];
	v13 =	vmul.f32 v13, v54;
	[tilespmem:s22+$0xFFFFFEF0] =	vst v7  }
0xab: {  	v1 =	vld [tilespmem:s23+$0x10];
	v21 =	vmul.f32 v53, v21;
	v24 =	vmul.f32 v51, v24;
	[tilespmem:s22+$0xFFFFFF00] =	vst v8  }
0xac: {  	v7 =	vmul.f32 v11, v55;
	v11 =	vmul.f32 v12, v58;
	v58 =	vld [tilespmem:s25+$0xFFFFFF60];
	[tilespmem:s22+$0xFFFFFF50] =	vst v13  }
0xad: {  	v23 =	vmul.f32 v49, v23;
	v6 =	vmul.f32 v9, v57;
	v57 =	vld [tilespmem:s23+$0x0];
	[tilespmem:s22+$0x0] =	vst v21  }
0xae: {  	v32 =	vmul.f32 v32, v48;
	[tilespmem:s22+$0x10] =	vst v24  }
0xaf: {  	v61 =	vld [tilespmem:s25+$0xFFFFFFF0];
	v25 =	vmul.f32 v25, v47;
	[tilespmem:s22+$0x20] =	vst v23  }
0xb0: {  	v26 =	vmul.f32 v4, v26;
	v9 =	vmul.f32 v10, v59;
	v10 =	vld [tilespmem:s23+$0xFFFFFFF0];
	[tilespmem:s22+$0x30] =	vst v32  }
0xb1: {  	v27 =	vmul.f32 v5, v27;
	[tilespmem:s22+$0x40] =	vst v25  }
0xb2: {  	v1 =	vadd.f32 v1, v62;
	v62 =	vld [tilespmem:$0x1FFF0];
	[tilespmem:s22+$0x90] =	vst v26  }
0xb3: {  	v30 =	vmul.f32 v3, v30;
	v48 =	vld [tilespmem:s25+$0x100];
	[tilespmem:s22+$0xA0] =	vst v27  }
0xb4: {  	v31 =	vmul.f32 v31, v2;
	v12 =	vld [tilespmem:s25+$0x80];
	[tilespmem:s22+$0xFFFFFF20] =	vst v9;
	v9 =	vmul.f32 $2.000000030e-01, v1  }
0xb5: {  	[tilespmem:s22+$0xB0] =	vst v30;
	v21 =	vld [tilespmem:s25+$0x0];
	v59 =	vadd.f32 v10, v61  }
0xb6: {  	v14 =	vmul.f32 v43, v14;
	[tilespmem:s22+$0xC0] =	vst v31;
	v24 =	vld [tilespmem:s25+$0x10];
	v1 =	vmax.f32 v1, v9  }
0xb7: {  	v63 =	vbroadcast v33, $0x4;
	v26 =	vld [tilespmem:s25+$0x90];
	[tilespmem:s22+$0xFFFFFF10] =	vst v6;
	v1 =	vsub.f32 v1, v62;
	v13 =	vmul.f32 $2.000000030e-01, v59  }
0xb8: {  	v0 =	vbroadcast v33, $0x5;
	v15 =	vmul.f32 v40, v15;
	[tilespmem:s22+$0xFFFFFF70] =	vst v14;
	v6 =	vld [tilespmem:s25+$0xFFFFFEE0]  }
0xb9: {  	[tilespmem:s22+$0xFFFFFF30] =	vst v7;
	v7 =	vld [tilespmem:s25+$0xFFFFFEF0];
	v61 =	vadd.f32 v57, v12;
	v1 =	vmul.f32 $1.442695020e+00, v1;
	v13 =	vmax.f32 v59, v13  }
0xba: {  	v16 =	vmul.f32 v41, v16;
	v17 =	vmul.f32 v17, v38;
	[tilespmem:s22+$0xFFFFFF40] =	vst v11;
	v8 =	vld [tilespmem:s25+$0xFFFFFF00];
	v38 =	vsub.f32 v13, v62  }
0xbb: {  	[tilespmem:s22+$0xFFFFFF80] =	vst v15;
	v11 =	vld [tilespmem:s25+$0xFFFFFF30];
	v14 =	vadd.f32 v60, v58;
	v15 =	vmul.f32 $2.000000030e-01, v61;
	(erf) = vpow2.f32 v1  }
0xbc: {  	v18 =	vmul.f32 v18, v42;
	[tilespmem:s22+$0xFFFFFFA0] =	vst v17;
	v9 =	vld [tilespmem:s25+$0xFFFFFF10];
	v17 =	vmul.f32 $1.442695020e+00, v38  }
0xbd: {  	v19 =	vmul.f32 v19, v39;
	[tilespmem:s22+$0xFFFFFF90] =	vst v16;
	v10 =	vld [tilespmem:s25+$0xFFFFFF20];
	v16 =	vmul.f32 $2.000000030e-01, v14;
	v15 =	vmax.f32 v61, v15  }
0xbe: {  	v20 =	vmul.f32 v20, v52;
	[tilespmem:s22+$0xFFFFFFB0] =	vst v18;
	v12 =	vld [tilespmem:s25+$0xFFFFFF40];
	v18 =	vsub.f32 v15, v62;
	(erf) = vpow2.f32 v17  }
0xbf: {  	v33 =	vbroadcast v33, $0x6;
	v22 =	vmul.f32 v22, v50;
	[tilespmem:s22+$0xFFFFFFC0] =	vst v19;
	v16 =	vmax.f32 v14, v16;
	v14 =	vld [tilespmem:s25+$0xFFFFFF70]  }
0xc0: {  	v28 =	vmul.f32 v28, v45;
	[tilespmem:s22+$0xFFFFFFD0] =	vst v20;
	v13 =	vld [tilespmem:s25+$0xFFFFFF50];
	v19 =	vsub.f32 v16, v62;
	v20 =	vmul.f32 $1.442695020e+00, v18  }
0xc1: {  	v34 =	vmul.f32 v34, v63;
	v1 =	vmul.f32 v29, v46;
	v15 =	vld [tilespmem:s25+$0xFFFFFF80]  }
0xc2: {  	[tilespmem:s22+$0xFFFFFFE0] =	vst v22;
	v16 =	vld [tilespmem:s25+$0xFFFFFF90];
	v22 =	vmul.f32 $1.442695020e+00, v19;
	(erf) = vpow2.f32 v20  }
0xc3: {  	v0 =	vmul.f32 v35, v0;
	v49 =	vmul.f32 v37, v33;
	v18 =	vld [tilespmem:s25+$0xFFFFFFB0]  }
0xc4: {  	v29 =	vmul.f32 v36, v44;
	[tilespmem:s22+$0x50] =	vst v1;
	v19 =	vld [tilespmem:s25+$0xFFFFFFC0];
	(erf) = vpow2.f32 v22;
	v33 =	vpop (erf)  }
0xc5: {  	[tilespmem:s22+$0x60] =	vst v28;
	v23 =	vld [tilespmem:s25+$0x20];
	v4 =	vbroadcast v33, $0x0;
	v25 =	vbroadcast v33, $0x7  }
0xc6: {  	[tilespmem:s22+$0x70] =	vst v29;
	v32 =	vld [tilespmem:s25+$0x30];
	v5 =	vbroadcast v33, $0x1;
	v3 =	vbroadcast v33, $0x2  }
0xc7: {  	v29 =	vld [tilespmem:s25+$0x50];
	v2 =	vbroadcast v33, $0x3;
	v28 =	vmul.f32 v48, v25;
	v50 =	vpop (erf)  }
0xc8: {  	v36 =	vld [tilespmem:s25+$0x70];
	v43 =	vbroadcast v50, $0x0;
	v40 =	vbroadcast v50, $0x1  }
0xc9: {  	v17 =	vld [tilespmem:s25+$0xFFFFFFA0];
	v41 =	vbroadcast v50, $0x2;
	v38 =	vbroadcast v50, $0x3  }
0xca: {  	v20 =	vld [tilespmem:s25+$0xFFFFFFD0];
	[tilespmem:s25+$0x100] =	vst v28;
	v42 =	vbroadcast v50, $0x4;
	v39 =	vbroadcast v50, $0x5  }
0xcb: {  	v22 =	vld [tilespmem:s25+$0xFFFFFFE0];
	v44 =	vnsel vm0, $0x0, v50;
	v62 =	vpop (erf);
	[tilespmem:s22+$0xD0] =	vst v34;
	v52 =	vbroadcast v50, $0x6;
	v50 =	vbroadcast v50, $0x7  }
0xcc: {  	v25 =	vld [tilespmem:s25+$0x40];
	[tilespmem:s22+$0xE0] =	vst v0;
	v53 =	vbroadcast v62, $0x0;
	v51 =	vbroadcast v62, $0x1  }
0xcd: {  	s24 =	sadd.s32 $0x4, s24;
	v28 =	vld [tilespmem:s25+$0x60];
	[tilespmem:s22+$0xF0] =	vst v49;
	v27 =	vpop (erf);
	v49 =	vbroadcast v62, $0x2;
	v48 =	vbroadcast v62, $0x3  }
0xce: {  	p0 =	slt.u32 s24, $0x4C;
	v31 =	vld [tilespmem:s25+$0xC0];
	v60 =	vbroadcast v27, $0x0;
	v56 =	vbroadcast v27, $0x1  }
.Ltmp1:
0xcf: {  	v1 =	vnsel vm0, $0x0, v33;
	v34 =	vld [tilespmem:s25+$0xD0];
	v61 =	vbroadcast v27, $0x2;
	v57 =	vbroadcast v27, $0x3;
	(pc) =	sbr.rel @p0 .LBB2_6-.Ltmp1, $4  }
0xd0: {  	v45 =	vnsel vm0, $0x0, v62;
	[tilespmem:s25+$0xFFFFFFF0] =	vst v44;
	v35 =	vld [tilespmem:s25+$0xE0];
	v59 =	vbroadcast v27, $0x4;
	v55 =	vbroadcast v27, $0x5  }
0xd1: {  	s22 =	smov.u32 s25;
	[tilespmem:s25+$0x110] =	vst v1;
	v30 =	vnsel vm0, $0x0, v27;
	v58 =	vbroadcast v27, $0x6;
	v54 =	vbroadcast v27, $0x7;
	v27 =	vld [tilespmem:s25+$0xA0]  }
0xd2: {  	v47 =	vbroadcast v62, $0x4;
	v46 =	vbroadcast v62, $0x5;
	[tilespmem:s25+$0x80] =	vst v45;
	v37 =	vld [tilespmem:s22+$0xF0]  }
0xd3: {  	v44 =	vbroadcast v62, $0x7;
	v45 =	vbroadcast v62, $0x6;
	[tilespmem:s25+$0xFFFFFF60] =	vst v30;
	v30 =	vld [tilespmem:s25+$0xB0];
	s25 =	sadd.s32 $0x240, s25  }
0xd4: {  	v0 =	vmul.f32 v60, v6  }
0xd5: {  	v1 =	vmul.f32 v56, v7  }
0xd6: {  	v6 =	vmul.f32 v61, v8;
	[tilespmem:s22+$0xFFFFFEE0] =	vst v0  }
0xd7: {  	v2 =	vmul.f32 v31, v2;
	[tilespmem:s22+$0xFFFFFEF0] =	vst v1  }
0xd8: {  	v0 =	vmul.f32 v9, v57;
	[tilespmem:s22+$0xFFFFFF00] =	vst v6  }
0xd9: {  	v1 =	vmul.f32 v10, v59;
	[tilespmem:s22+$0xC0] =	vst v2  }
0xda: {  	v6 =	vmul.f32 v11, v55;
	[tilespmem:s22+$0xFFFFFF10] =	vst v0  }
0xdb: {  	v0 =	vmul.f32 v12, v58;
	[tilespmem:s22+$0xFFFFFF20] =	vst v1  }
0xdc: {  	v1 =	vmul.f32 v13, v54;
	[tilespmem:s22+$0xFFFFFF30] =	vst v6  }
0xdd: {  	v6 =	vmul.f32 v43, v14;
	[tilespmem:s22+$0xFFFFFF40] =	vst v0  }
0xde: {  	v3 =	vmul.f32 v3, v30;
	[tilespmem:s22+$0xFFFFFF50] =	vst v1  }
0xdf: {  	v0 =	vmul.f32 v40, v15;
	[tilespmem:s22+$0xFFFFFF70] =	vst v6  }
0xe0: {  	v1 =	vmul.f32 v41, v16;
	[tilespmem:s22+$0xB0] =	vst v3  }
0xe1: {  	v6 =	vmul.f32 v17, v38;
	[tilespmem:s22+$0xFFFFFF80] =	vst v0  }
0xe2: {  	v0 =	vmul.f32 v18, v42;
	[tilespmem:s22+$0xFFFFFF90] =	vst v1  }
0xe3: {  	v1 =	vmul.f32 v19, v39;
	[tilespmem:s22+$0xFFFFFFA0] =	vst v6  }
0xe4: {  	v6 =	vmul.f32 v20, v52;
	[tilespmem:s22+$0xFFFFFFB0] =	vst v0  }
0xe5: {  	v0 =	vmul.f32 v22, v50;
	[tilespmem:s22+$0xFFFFFFC0] =	vst v1  }
0xe6: {  	v1 =	vmul.f32 v53, v21;
	[tilespmem:s22+$0xFFFFFFD0] =	vst v6  }
0xe7: {  	v6 =	vmul.f32 v51, v24;
	[tilespmem:s22+$0xFFFFFFE0] =	vst v0  }
0xe8: {  	v0 =	vmul.f32 v49, v23;
	[tilespmem:s22+$0x0] =	vst v1  }
0xe9: {  	v1 =	vmul.f32 v32, v48;
	[tilespmem:s22+$0x10] =	vst v6  }
0xea: {  	v6 =	vmul.f32 v25, v47;
	[tilespmem:s22+$0x20] =	vst v0  }
0xeb: {  	v0 =	vmul.f32 v29, v46;
	[tilespmem:s22+$0x30] =	vst v1  }
0xec: {  	v1 =	vmul.f32 v28, v45;
	[tilespmem:s22+$0x40] =	vst v6  }
0xed: {  	[tilespmem:s22+$0x50] =	vst v0;
	v0 =	vmul.f32 v4, v26  }
0xee: {  	[tilespmem:s22+$0x60] =	vst v1;
	v1 =	vmul.f32 v5, v27;
	v4 =	vbroadcast v33, $0x4  }
0xef: {  	v6 =	vmul.f32 v36, v44;
	[tilespmem:s22+$0x90] =	vst v0;
	v0 =	vbroadcast v33, $0x5  }
0xf0: {  	[tilespmem:s22+$0xA0] =	vst v1;
	v1 =	vbroadcast v33, $0x6;
	v4 =	vmul.f32 v34, v4  }
0xf1: {  	s23 =	smul.u32 $0x280, s20;
	[tilespmem:s22+$0x70] =	vst v6;
	v0 =	vmul.f32 v35, v0  }
0xf2: {  	v1 =	vmul.f32 v37, v1;
	[tilespmem:s22+$0xD0] =	vst v4  }
0xf3: {  	s23 =	sshra.s32 s23, $0x2;
	[tilespmem:s22+$0xE0] =	vst v0  }
0xf4: {  	p0 =	seq.s32 s20, $0xF;
	s25 =	sadd.s32 $0x1E000, s23;
	[tilespmem:s22+$0xF0] =	vst v1  }
0xf5: {  	[spmem:s1] =	stream.indirect.scatter.add.f32 [tilespmem:s5], [sflag:$0x5], $0x90, s25, s3, $0xb8;
	[tilespmem:$0x1EA10] =	vst v63  }
0xf6: {  	s22 =	smul.u32 @!p0 $0xA0, s20;
	_ =	swait.ge [sflag:s11], $0x2D00  }
0xf7: {  	s24 =	simm.s32 @!p0 $0x50;
	[sflag:s11] =	ssyncset.done $0x0  }
0xf8: {  	s25 =	simm.s32 @!p0 $0x16800;
	s23 =	sadd.s32 @!p0 $0x1CCA0, s22;
	[sflag:s11] =	ssyncadd.s32 $0xFFFFD300  }
0xf9: {  	[tilespmem:s25], [sflag:$0x1] =	stream.indirect.gather @!p0 [hbm4b:s4+s24], $0x90, s23, s24, $0xb8;
	[tilespmem:$0x1EA10] =	vst v63  }
0xfa: {  	s22 =	sadd.s32 @!p0 $0x1D6A0, s22;
	s23 =	simm.s32 @!p0 $0x1C200  }
0xfb: {  	[tilespmem:s23], [sflag:$0x3] =	stream.indirect.gather @!p0 [hbm4b:s15+s24], $0x10, s22, s24, $0xb8;
	[tilespmem:$0x1EA10] =	vst v63  }
0xfc: {  	_ =	swait.ge [sflag:s12], $0x2D00  }
0xfd: {  	[sflag:s12] =	ssyncset.done $0x0  }
0xfe: {  	[sflag:s12] =	ssyncadd.s32 $0xFFFFD300  }
0xff: {  	_ =	swait.ge [sflag:s13], $0x500  }
0x100: {  	[sflag:s13] =	ssyncset.done $0x0  }
0x101: {  	s22 =	simm.s32 $0x19620;
	[sflag:s13] =	ssyncadd.s32 $0xFFFFFB00  }
0x102: {  	s23 =	simm.s32 $0x1C720;
	v0 =	vld [tilespmem:s22+$0x110]  }
0x103: {  	v1 =	vld [tilespmem:s23+$0x10];
	_ =	sdelay $0x1  }
0x104: {  	v63 =	vld [tilespmem:$0x1FFF0]  }
0x105: {  	v2 =	vld [tilespmem:s23+$0xFFFFFFE0]  }
0x106: {  	v3 =	vld [tilespmem:s22+$0xFFFFFFF0]  }
0x107: {  	v4 =	vld [tilespmem:s23+$0xFFFFFFF0];
	v0 =	vadd.f32 v1, v0  }
0x108: {  	v5 =	vld [tilespmem:s22+$0x80]  }
0x109: {  	v10 =	vld [tilespmem:s23+$0x0];
	v9 =	vmul.f32 $2.000000030e-01, v0  }
0x10a: {  	v1 =	vld [tilespmem:s22+$0xFFFFFF60]  }
0x10b: {  	v6 =	vld [tilespmem:s22+$0xFFFFFEE0];
	v0 =	vmax.f32 v0, v9  }
0x10c: {  	v7 =	vld [tilespmem:s22+$0xFFFFFEF0];
	v3 =	vadd.f32 v4, v3;
	v0 =	vsub.f32 v0, v63  }
0x10d: {  	v8 =	vld [tilespmem:s22+$0xFFFFFF00]  }
0x10e: {  	v11 =	vld [tilespmem:s22+$0xFFFFFF30];
	v4 =	vmul.f32 $2.000000030e-01, v3;
	v0 =	vmul.f32 $1.442695020e+00, v0  }
0x10f: {  	v12 =	vld [tilespmem:s22+$0xFFFFFF40];
	v5 =	vadd.f32 v10, v5;
	v1 =	vadd.f32 v2, v1  }
0x110: {  	v13 =	vld [tilespmem:s22+$0xFFFFFF50];
	v2 =	vmax.f32 v3, v4;
	(erf) = vpow2.f32 v0  }
0x111: {  	v14 =	vld [tilespmem:s22+$0xFFFFFF70];
	v3 =	vmul.f32 $2.000000030e-01, v5;
	v2 =	vsub.f32 v2, v63;
	v4 =	vmul.f32 $2.000000030e-01, v1  }
0x112: {  	v15 =	vld [tilespmem:s22+$0xFFFFFF80]  }
0x113: {  	v16 =	vld [tilespmem:s22+$0xFFFFFF90];
	v3 =	vmax.f32 v5, v3;
	v0 =	vmax.f32 v1, v4;
	v1 =	vmul.f32 $1.442695020e+00, v2  }
0x114: {  	v17 =	vld [tilespmem:s22+$0xFFFFFFA0];
	v2 =	vsub.f32 v3, v63  }
0x115: {  	v18 =	vld [tilespmem:s22+$0xFFFFFFB0];
	v0 =	vsub.f32 v0, v63;
	(erf) = vpow2.f32 v1  }
0x116: {  	v19 =	vld [tilespmem:s22+$0xFFFFFFC0];
	v2 =	vmul.f32 $1.442695020e+00, v2  }
0x117: {  	v20 =	vld [tilespmem:s22+$0xFFFFFFD0];
	v0 =	vmul.f32 $1.442695020e+00, v0  }
0x118: {  	v22 =	vld [tilespmem:s22+$0xFFFFFFE0];
	(erf) = vpow2.f32 v2  }
0x119: {  	(erf) = vpow2.f32 v0;
	v0 =	vld [tilespmem:s22+$0x100];
	v33 =	vpop (erf)  }
0x11a: {  	v21 =	vld [tilespmem:s22+$0x0];
	v1 =	vbroadcast v33, $0x7  }
0x11b: {  	v24 =	vld [tilespmem:s22+$0x10]  }
0x11c: {  	v23 =	vld [tilespmem:s22+$0x20];
	v4 =	vbroadcast v33, $0x0  }
0x11d: {  	v32 =	vld [tilespmem:s22+$0x30];
	v5 =	vbroadcast v33, $0x1;
	v3 =	vbroadcast v33, $0x2  }
0x11e: {  	v25 =	vld [tilespmem:s22+$0x40];
	v2 =	vbroadcast v33, $0x3;
	v0 =	vmul.f32 v0, v1;
	v1 =	vpop (erf)  }
0x11f: {  	v29 =	vld [tilespmem:s22+$0x50];
	v43 =	vbroadcast v1, $0x0;
	v40 =	vbroadcast v1, $0x1  }
0x120: {  	v28 =	vld [tilespmem:s22+$0x60];
	v41 =	vbroadcast v1, $0x2;
	v38 =	vbroadcast v1, $0x3  }
0x121: {  	v26 =	vld [tilespmem:s22+$0x90];
	v42 =	vbroadcast v1, $0x4;
	v39 =	vbroadcast v1, $0x5  }
0x122: {  	v27 =	vld [tilespmem:s22+$0xA0];
	v37 =	vpop (erf);
	v52 =	vbroadcast v1, $0x6;
	v50 =	vbroadcast v1, $0x7  }
0x123: {  	v30 =	vld [tilespmem:s22+$0xB0];
	v53 =	vbroadcast v37, $0x0;
	v51 =	vbroadcast v37, $0x1  }
0x124: {  	v34 =	vld [tilespmem:s22+$0xD0];
	v49 =	vbroadcast v37, $0x2;
	v48 =	vbroadcast v37, $0x3  }
0x125: {  	v36 =	vld [tilespmem:s22+$0x70];
	v62 =	vnsel vm0, $0x0, v33;
	v31 =	vpop (erf);
	v47 =	vbroadcast v37, $0x4;
	v46 =	vbroadcast v37, $0x5  }
0x126: {  	v35 =	vld [tilespmem:s22+$0xE0];
	[tilespmem:s22+$0x110] =	vst v62;
	v60 =	vbroadcast v31, $0x0;
	v56 =	vbroadcast v31, $0x1  }
0x127: {  	v10 =	vld [tilespmem:s22+$0xFFFFFF20];
	[tilespmem:s22+$0x100] =	vst v0;
	v61 =	vbroadcast v31, $0x2;
	v57 =	vbroadcast v31, $0x3;
	v0 =	vnsel vm0, $0x0, v31  }
0x128: {  	v9 =	vld [tilespmem:s22+$0xFFFFFF10];
	v59 =	vbroadcast v31, $0x4;
	v55 =	vbroadcast v31, $0x5;
	[tilespmem:s22+$0xFFFFFF60] =	vst v0;
	v0 =	vnsel vm0, $0x0, v1  }
0x129: {  	v58 =	vbroadcast v31, $0x6;
	v54 =	vbroadcast v31, $0x7;
	v31 =	vld [tilespmem:s22+$0xC0];
	v1 =	vnsel vm0, $0x0, v37;
	[tilespmem:s22+$0xFFFFFFF0] =	vst v0  }
0x12a: {  	s25 =	simm.s32 $0x19860;
	s24 =	simm.s32 $0x0;
	v45 =	vbroadcast v37, $0x6;
	v44 =	vbroadcast v37, $0x7;
	v37 =	vld [tilespmem:s22+$0xF0];
	[tilespmem:s22+$0x80] =	vst v1  }
.LBB2_8:
0x12b: {  	v1 =	vbroadcast v33, $0x5  }
0x12c: {  	v6 =	vmul.f32 v60, v6  }
0x12d: {  	s23 =	sadd.s32 $0x40, s23;
	[tilespmem:$0x1FFE0] =	vst v1;
	v7 =	vmul.f32 v56, v7  }
0x12e: {  	v60 =	vld [tilespmem:s23+$0xFFFFFFE0];
	v8 =	vmul.f32 v61, v8;
	[tilespmem:s22+$0xFFFFFEE0] =	vst v6  }
0x12f: {  	v13 =	vmul.f32 v13, v54;
	[tilespmem:s22+$0xFFFFFEF0] =	vst v7  }
0x130: {  	v0 =	vld [tilespmem:s25+$0x110];
	v14 =	vmul.f32 v43, v14;
	[tilespmem:s22+$0xFFFFFF00] =	vst v8  }
0x131: {  	v61 =	vld [tilespmem:s25+$0xFFFFFF60];
	v21 =	vmul.f32 v53, v21;
	v24 =	vmul.f32 v51, v24;
	[tilespmem:s22+$0xFFFFFF50] =	vst v13  }
0x132: {  	v6 =	vmul.f32 v9, v57;
	v9 =	vmul.f32 v10, v59;
	v10 =	vld [tilespmem:s23+$0xFFFFFFF0];
	[tilespmem:s22+$0xFFFFFF70] =	vst v14  }
0x133: {  	v23 =	vmul.f32 v49, v23;
	v59 =	vld [tilespmem:s23+$0x0];
	[tilespmem:s22+$0x0] =	vst v21  }
0x134: {  	v1 =	vmov v2;
	v2 =	vmov v63;
	v63 =	vld [tilespmem:s23+$0x10];
	v32 =	vmul.f32 v32, v48;
	[tilespmem:s22+$0x10] =	vst v24  }
0x135: {  	v25 =	vmul.f32 v25, v47;
	[tilespmem:s22+$0x20] =	vst v23  }
0x136: {  	v26 =	vmul.f32 v4, v26;
	[tilespmem:s22+$0x30] =	vst v32  }
0x137: {  	v56 =	vld [tilespmem:s25+$0xFFFFFFF0];
	v27 =	vmul.f32 v5, v27;
	[tilespmem:s22+$0x40] =	vst v25  }
0x138: {  	v30 =	vmul.f32 v3, v30;
	[tilespmem:s22+$0x90] =	vst v26  }
0x139: {  	v7 =	vmul.f32 v11, v55;
	v11 =	vmul.f32 v12, v58;
	v12 =	vld [tilespmem:s25+$0x80];
	[tilespmem:s22+$0xA0] =	vst v27;
	v0 =	vadd.f32 v63, v0  }
0x13a: {  	v47 =	vld [tilespmem:s25+$0x100];
	v31 =	vmul.f32 v31, v1;
	[tilespmem:s22+$0xB0] =	vst v30  }
0x13b: {  	v21 =	vld [tilespmem:s25+$0x0];
	[tilespmem:s22+$0xFFFFFF20] =	vst v9;
	v9 =	vmul.f32 $2.000000030e-01, v0  }
0x13c: {  	v15 =	vmul.f32 v40, v15;
	v18 =	vmul.f32 v18, v42;
	v24 =	vld [tilespmem:s25+$0x10];
	[tilespmem:s22+$0xC0] =	vst v31;
	v42 =	vadd.f32 v10, v56  }
0x13d: {  	[tilespmem:s22+$0xFFFFFF10] =	vst v6;
	v26 =	vld [tilespmem:s25+$0x90];
	v0 =	vmax.f32 v0, v9  }
0x13e: {  	[tilespmem:s22+$0xFFFFFF80] =	vst v15;
	v6 =	vld [tilespmem:s25+$0xFFFFFEE0];
	v43 =	vadd.f32 v59, v12;
	v13 =	vmul.f32 $2.000000030e-01, v42;
	v0 =	vsub.f32 v0, v2  }
0x13f: {  	v16 =	vmul.f32 v41, v16;
	v17 =	vmul.f32 v17, v38;
	[tilespmem:s22+$0xFFFFFF30] =	vst v7;
	v7 =	vld [tilespmem:s25+$0xFFFFFEF0];
	v14 =	vadd.f32 v60, v61  }
0x140: {  	[tilespmem:s22+$0xFFFFFF40] =	vst v11;
	v8 =	vld [tilespmem:s25+$0xFFFFFF00];
	v15 =	vmul.f32 $2.000000030e-01, v43;
	v13 =	vmax.f32 v42, v13;
	v0 =	vmul.f32 $1.442695020e+00, v0  }
0x141: {  	v19 =	vmul.f32 v19, v39;
	[tilespmem:s22+$0xFFFFFF90] =	vst v16;
	v11 =	vld [tilespmem:s25+$0xFFFFFF30];
	v16 =	vmul.f32 $2.000000030e-01, v14;
	v38 =	vsub.f32 v13, v2  }
0x142: {  	v20 =	vmul.f32 v20, v52;
	[tilespmem:s22+$0xFFFFFFA0] =	vst v17;
	v10 =	vld [tilespmem:s25+$0xFFFFFF20];
	v15 =	vmax.f32 v43, v15;
	(erf) = vpow2.f32 v0  }
0x143: {  	[tilespmem:s22+$0xFFFFFFB0] =	vst v18;
	v12 =	vld [tilespmem:s25+$0xFFFFFF40];
	v16 =	vmax.f32 v14, v16;
	v18 =	vsub.f32 v15, v2;
	v17 =	vmul.f32 $1.442695020e+00, v38  }
0x144: {  	v22 =	vmul.f32 v22, v50;
	[tilespmem:s22+$0xFFFFFFC0] =	vst v19;
	v9 =	vld [tilespmem:s25+$0xFFFFFF10];
	v19 =	vsub.f32 v16, v2  }
0x145: {  	[tilespmem:s22+$0xFFFFFFD0] =	vst v20;
	v14 =	vld [tilespmem:s25+$0xFFFFFF70];
	v20 =	vmul.f32 $1.442695020e+00, v18;
	(erf) = vpow2.f32 v17  }
0x146: {  	v62 =	vbroadcast v33, $0x4;
	[tilespmem:s22+$0xFFFFFFE0] =	vst v22;
	v63 =	vmov v2;
	v22 =	vmul.f32 $1.442695020e+00, v19;
	v2 =	vld [tilespmem:$0x1FFE0]  }
0x147: {  	v33 =	vbroadcast v33, $0x6;
	v16 =	vld [tilespmem:s25+$0xFFFFFF90];
	(erf) = vpow2.f32 v20  }
0x148: {  	v13 =	vld [tilespmem:s25+$0xFFFFFF50];
	(erf) = vpow2.f32 v22  }
0x149: {  	v28 =	vmul.f32 v28, v45;
	v49 =	vmul.f32 v37, v33;
	v15 =	vld [tilespmem:s25+$0xFFFFFF80]  }
0x14a: {  	v1 =	vmul.f32 v34, v62;
	v19 =	vld [tilespmem:s25+$0xFFFFFFC0];
	v0 =	vmul.f32 v29, v46  }
0x14b: {  	v29 =	vmul.f32 v36, v44;
	v18 =	vld [tilespmem:s25+$0xFFFFFFB0];
	v48 =	vmul.f32 v35, v2;
	v33 =	vpop (erf)  }
0x14c: {  	v17 =	vld [tilespmem:s25+$0xFFFFFFA0];
	v4 =	vbroadcast v33, $0x0;
	v25 =	vbroadcast v33, $0x7  }
0x14d: {  	[tilespmem:s22+$0x50] =	vst v0;
	v20 =	vld [tilespmem:s25+$0xFFFFFFD0];
	v5 =	vbroadcast v33, $0x1;
	v3 =	vbroadcast v33, $0x2  }
0x14e: {  	[tilespmem:s22+$0x60] =	vst v28;
	v23 =	vld [tilespmem:s25+$0x20];
	v2 =	vbroadcast v33, $0x3;
	v50 =	vpop (erf);
	v28 =	vmul.f32 v47, v25  }
0x14f: {  	[tilespmem:s22+$0x70] =	vst v29;
	v32 =	vld [tilespmem:s25+$0x30];
	v43 =	vbroadcast v50, $0x0;
	v40 =	vbroadcast v50, $0x1  }
0x150: {  	v29 =	vld [tilespmem:s25+$0x50];
	v41 =	vbroadcast v50, $0x2;
	v38 =	vbroadcast v50, $0x3;
	v62 =	vpop (erf)  }
0x151: {  	v36 =	vld [tilespmem:s25+$0x70];
	v42 =	vbroadcast v50, $0x4;
	v39 =	vbroadcast v50, $0x5;
	v27 =	vpop (erf)  }
0x152: {  	v22 =	vld [tilespmem:s25+$0xFFFFFFE0];
	[tilespmem:s25+$0x100] =	vst v28;
	v60 =	vbroadcast v27, $0x0;
	v56 =	vbroadcast v27, $0x1  }
0x153: {  	v25 =	vld [tilespmem:s25+$0x40];
	v61 =	vbroadcast v27, $0x2;
	v57 =	vbroadcast v27, $0x3;
	[tilespmem:s22+$0xD0] =	vst v1  }
0x154: {  	s24 =	sadd.s32 $0x4, s24;
	v28 =	vld [tilespmem:s25+$0x60];
	v59 =	vbroadcast v27, $0x4;
	v55 =	vbroadcast v27, $0x5;
	[tilespmem:s22+$0xE0] =	vst v48  }
0x155: {  	p0 =	slt.u32 s24, $0x4C;
	v30 =	vnsel vm0, $0x0, v27;
	v58 =	vbroadcast v27, $0x6;
	v54 =	vbroadcast v27, $0x7;
	[tilespmem:s22+$0xF0] =	vst v49;
	v27 =	vld [tilespmem:s25+$0xA0]  }
.Ltmp2:
0x156: {  	v44 =	vnsel vm0, $0x0, v50;
	v52 =	vbroadcast v50, $0x6;
	v50 =	vbroadcast v50, $0x7;
	[tilespmem:s25+$0xFFFFFF60] =	vst v30;
	v30 =	vld [tilespmem:s25+$0xB0];
	(pc) =	sbr.rel @p0 .LBB2_8-.Ltmp2, $4  }
0x157: {  	v45 =	vnsel vm0, $0x0, v62;
	[tilespmem:s25+$0xFFFFFFF0] =	vst v44;
	v53 =	vbroadcast v62, $0x0;
	v51 =	vbroadcast v62, $0x1;
	v31 =	vld [tilespmem:s25+$0xC0]  }
0x158: {  	v0 =	vnsel vm0, $0x0, v33;
	v47 =	vbroadcast v62, $0x4;
	v46 =	vbroadcast v62, $0x5;
	[tilespmem:s25+$0x80] =	vst v45;
	v34 =	vld [tilespmem:s25+$0xD0]  }
0x159: {  	v44 =	vbroadcast v62, $0x7;
	v45 =	vbroadcast v62, $0x6;
	s22 =	smov.u32 s25;
	[tilespmem:s25+$0x110] =	vst v0;
	v35 =	vld [tilespmem:s25+$0xE0]  }
0x15a: {  	v49 =	vbroadcast v62, $0x2;
	v48 =	vbroadcast v62, $0x3;
	s25 =	sadd.s32 $0x240, s25;
	v37 =	vld [tilespmem:s22+$0xF0]  }
0x15b: {  	v0 =	vmul.f32 v60, v6  }
0x15c: {  	v1 =	vmul.f32 v56, v7  }
0x15d: {  	v62 =	vmul.f32 v61, v8;
	[tilespmem:s22+$0xFFFFFEE0] =	vst v0  }
0x15e: {  	v9 =	vmul.f32 v9, v57;
	[tilespmem:s22+$0xFFFFFEF0] =	vst v1  }
0x15f: {  	v10 =	vmul.f32 v10, v59;
	[tilespmem:s22+$0xFFFFFF00] =	vst v62  }
0x160: {  	v11 =	vmul.f32 v11, v55;
	[tilespmem:s22+$0xFFFFFF10] =	vst v9  }
0x161: {  	v12 =	vmul.f32 v12, v58;
	[tilespmem:s22+$0xFFFFFF20] =	vst v10  }
0x162: {  	v13 =	vmul.f32 v13, v54;
	[tilespmem:s22+$0xFFFFFF30] =	vst v11  }
0x163: {  	v14 =	vmul.f32 v43, v14;
	[tilespmem:s22+$0xFFFFFF40] =	vst v12  }
0x164: {  	v15 =	vmul.f32 v40, v15;
	[tilespmem:s22+$0xFFFFFF50] =	vst v13  }
0x165: {  	v16 =	vmul.f32 v41, v16;
	[tilespmem:s22+$0xFFFFFF70] =	vst v14  }
0x166: {  	v38 =	vmul.f32 v17, v38;
	[tilespmem:s22+$0xFFFFFF80] =	vst v15  }
0x167: {  	v40 =	vmul.f32 v18, v42;
	[tilespmem:s22+$0xFFFFFF90] =	vst v16  }
0x168: {  	v41 =	vmul.f32 v19, v39;
	[tilespmem:s22+$0xFFFFFFA0] =	vst v38  }
0x169: {  	v42 =	vmul.f32 v20, v52;
	[tilespmem:s22+$0xFFFFFFB0] =	vst v40  }
0x16a: {  	v43 =	vmul.f32 v22, v50;
	[tilespmem:s22+$0xFFFFFFC0] =	vst v41  }
0x16b: {  	v50 =	vmul.f32 v53, v21;
	[tilespmem:s22+$0xFFFFFFD0] =	vst v42  }
0x16c: {  	v51 =	vmul.f32 v51, v24;
	[tilespmem:s22+$0xFFFFFFE0] =	vst v43  }
0x16d: {  	v54 =	vmul.f32 v25, v47;
	[tilespmem:s22+$0x0] =	vst v50  }
0x16e: {  	v55 =	vmul.f32 v29, v46;
	[tilespmem:s22+$0x10] =	vst v51  }
0x16f: {  	v56 =	vmul.f32 v28, v45;
	[tilespmem:s22+$0x40] =	vst v54  }
0x170: {  	v57 =	vmul.f32 v36, v44;
	[tilespmem:s22+$0x50] =	vst v55  }
0x171: {  	v58 =	vmul.f32 v4, v26;
	[tilespmem:s22+$0x60] =	vst v56  }
0x172: {  	v59 =	vmul.f32 v5, v27;
	[tilespmem:s22+$0x70] =	vst v57  }
0x173: {  	v3 =	vmul.f32 v3, v30;
	[tilespmem:s22+$0x90] =	vst v58  }
0x174: {  	v52 =	vmul.f32 v49, v23;
	[tilespmem:s22+$0xA0] =	vst v59  }
0x175: {  	v60 =	vbroadcast v33, $0x4;
	v53 =	vmul.f32 v32, v48;
	[tilespmem:s22+$0xB0] =	vst v3  }
0x176: {  	v61 =	vbroadcast v33, $0x5;
	s20 =	sadd.s32 $0x1, s20;
	v2 =	vmul.f32 v31, v2;
	[tilespmem:s22+$0x20] =	vst v52  }
0x177: {  	s21 =	smul.u32 $0x140, s21;
	p0 =	sne.s32 s20, $0x10;
	v62 =	vbroadcast v33, $0x6;
	v4 =	vmul.f32 v34, v60;
	[tilespmem:s22+$0x30] =	vst v53  }
.Ltmp3:
0x178: {  	v0 =	vmul.f32 v35, v61;
	[tilespmem:s22+$0xC0] =	vst v2;
	(pc) =	sbr.rel @p0 .LBB2_5-.Ltmp3, $4  }
0x179: {  	v1 =	vmul.f32 v37, v62;
	[tilespmem:s22+$0xD0] =	vst v4  }
0x17a: {  	s21 =	sshra.s32 s21, $0x2;
	[tilespmem:s22+$0xE0] =	vst v0  }
0x17b: {  	s21 =	sadd.s32 $0x1E000, s21;
	[tilespmem:s22+$0xF0] =	vst v1  }
0x17c: {  	[spmem:s1] =	stream.indirect.scatter.add.f32 [tilespmem:s31], [sflag:$0x6], $0x90, s21, s3, $0xb8;
	[tilespmem:$0x1EA10] =	vst v63  }
0x17d: {  	s19 =	sadd.s32 $0x1, s19  }
0x17e: {  	p0 =	sne.s32 s19, $0x8  }
.Ltmp4:
0x17f: {  	_ = 	snop;
	(pc) =	sbr.rel @p0 .LBB2_4-.Ltmp4, $1  }
0x180: {  	_ =	sdelay $0x3  }
0x181: {  	s14 =	simm.s32 $0x6  }
0x182: {  	_ =	swait.ge [sflag:s14], $0x2D00  }
0x183: {  	[sflag:s14] =	ssyncset.done $0x0  }
0x184: {  	s24 =	stileid.u32;
	[sflag:s14] =	ssyncadd.s32 $0xFFFFD300  }
0x185: {  	s14 =	sshll.u32 s24, $0x6;
	[bflag:$0x0] =	sbarrier.arrive $0xFFFF  }
0x186: {  	s19 =	sshrl.u32 s26, $0x3;
	s14 =	sor.u32 $0x1C07, s14;
	s20 =	rddreg [dreg:$0x5]  }
0x187: {  	[hbm:s20], [sflag:s14] =	dma.local [spmem:s19], $0x5A0  }
0x188: {  	_ =	swait.ge [sflag:s30], $0x5A0  }
0x189: {  	s21 =	smov.u32 s26;
	[sflag:s30] =	ssyncset.done $0x0;
	s22 =	rddreg [dreg:$0xd]  }
0x18a: {  	s26 =	rddreg [dreg:$0x6];
	[sflag:s30] =	ssyncadd.s32 $0xFFFFFA60;
	s25 =	sshrl.u32 s22, $0x3  }
0x18b: {  	[hbm:s26], [sflag:s14] =	dma.local [spmem:s25], $0x5A0  }
0x18c: {  	_ =	swait.ge [sflag:s30], $0x5A0  }
0x18d: {  	[sflag:s30] =	ssyncset.done $0x0;
	s23 =	rddreg [dreg:$0xe]  }
0x18e: {  	s24 =	rddreg [dreg:$0x7];
	[sflag:s30] =	ssyncadd.s32 $0xFFFFFA60;
	s20 =	sshrl.u32 s23, $0x3  }
0x18f: {  	[hbm:s24], [sflag:s14] =	dma.local [spmem:s20], $0x5A0  }
0x190: {  	_ =	swait.ge [sflag:s30], $0x5A0  }
0x191: {  	[sflag:s30] =	ssyncset.done $0x0;
	s24 =	rddreg [dreg:$0xf]  }
0x192: {  	s26 =	rddreg [dreg:$0x8];
	[sflag:s30] =	ssyncadd.s32 $0xFFFFFA60;
	s25 =	sshrl.u32 s24, $0x3  }
0x193: {  	[hbm:s26], [sflag:s14] =	dma.local [spmem:s25], $0x5A0  }
0x194: {  	_ =	swait.ge [sflag:s30], $0x5A0  }
0x195: {  	[sflag:s30] =	ssyncset.done $0x0;
	s25 =	rddreg [dreg:$0x10]  }
0x196: {  	s26 =	rddreg [dreg:$0x9];
	[sflag:s30] =	ssyncadd.s32 $0xFFFFFA60;
	s20 =	sshrl.u32 s25, $0x3  }
0x197: {  	[hbm:s26], [sflag:s14] =	dma.local [spmem:s20], $0x5A0  }
0x198: {  	_ =	swait.ge [sflag:s30], $0x5A0  }
0x199: {  	[sflag:s30] =	ssyncset.done $0x0;
	s20 =	rddreg [dreg:$0x11]  }
0x19a: {  	s26 =	rddreg [dreg:$0xa];
	[sflag:s30] =	ssyncadd.s32 $0xFFFFFA60;
	s19 =	sshrl.u32 s20, $0x3  }
0x19b: {  	[hbm:s26], [sflag:s14] =	dma.local [spmem:s19], $0x5A0  }
0x19c: {  	_ =	swait.ge [sflag:s30], $0x5A0  }
0x19d: {  	[sflag:s30] =	ssyncset.done $0x0;
	s20 =	rddreg [dreg:$0x12]  }
0x19e: {  	s26 =	rddreg [dreg:$0xb];
	[sflag:s30] =	ssyncadd.s32 $0xFFFFFA60;
	s19 =	sshrl.u32 s20, $0x3  }
0x19f: {  	[hbm:s26], [sflag:s14] =	dma.local [spmem:s19], $0x5A0  }
0x1a0: {  	_ =	swait.ge [sflag:s30], $0x5A0  }
0x1a1: {  	[sflag:s30] =	ssyncset.done $0x0;
	s20 =	rddreg [dreg:$0x13]  }
0x1a2: {  	s26 =	rddreg [dreg:$0xc];
	[sflag:s30] =	ssyncadd.s32 $0xFFFFFA60;
	s19 =	sshrl.u32 s20, $0x3  }
0x1a3: {  	[hbm:s26], [sflag:s14] =	dma.local [spmem:s19], $0x5A0  }
0x1a4: {  	_ =	swait.ge [sflag:s30], $0x5A0  }
0x1a5: {  	s28 =	sadd.s32 $0x1, s28;
	s26 =	rddreg [dreg:$0x14]  }
0x1a6: {  	p0 =	sne.s32 s28, s26  }
.Ltmp5:
0x1a7: {  	_ = 	snop;
	(pc) =	sbr.rel @p0 .LBB2_1-.Ltmp5, $3  }
0x1a8: {  	_ =	sdelay $0x1  }
0x1a9: {  	[sflag:s30] =	ssyncset.done $0x0  }
0x1aa: {  	v0 =	vimm.f32 $0.0e+00;
	[sflag:s30] =	ssyncadd.s32 $0xFFFFFA60  }
0x1ab: {  	_ =	sfence.sel $0x180000  }
0x1ac: {  	[bflag:$0x0] =	sbarrier.arrive $0xFFFF  }
0x1ad: {  	_ =	strace $0x90000047  }
0x1ae: {  	s0 =	stileid.u32;
	[bflag:$0x2] =	sbarrier.arrive $0xFFFF  }
0x1af: {  	p0 =	sne.s32 s0, $0x0;
	s0 =	rddreg [dreg:$0x3]  }
0x1b0: {  	s0 =	sadd.s32 @!p0 $0x100000, s0  }
0x1b1: {  	[sflag:s0] =	ssyncadd.tile.s32 @!p0 $0x1;
	_ =	shalt  }
.Lfunc_end2:
_tile_overlayer_lowered:
.L_overlay_start_2:
0x1b2: {  	(tag) =	ssettag $0x2  }
0x1b3: {  	s0 =	rddreg [dreg:$0x0];
	s2 =	stileid.u32  }
0x1b4: {  	s1 =	rddreg [dreg:$0x1];
	p0 =	sne.s32 s2, $0x0  }
0x1b5: {  	s3 =	rddreg [dreg:$0x2];
	[bflag:$0x3] =	sbarrier.arrive $0xFFFF;
	s2 =	simm.s32 @!p0 $0x1C07  }
0x1b6: {  	[timem:s3], [sflag:s2] =	dma.local @!p0 [hbm:s0], s1  }
0x1b7: {  	s0 =	simm.s32 @!p0 $0x7  }
0x1b8: {  	_ =	swait.ge @!p0 [sflag:s0], s1  }
0x1b9: {  	s1 =	ssub.s32 @!p0 $0x0, s1;
	[sflag:s0] =	ssyncset.done @!p0 $0x0  }
0x1ba: {  	[sflag:s0] =	ssyncadd.s32 @!p0 s1  }
0x1bb: {  	[bflag:$0x3] =	sbarrier.arrive $0xFFFF  }
0x1bc: {  	_ =	shalt  }

</sc_bundles>
